<compile_context>
chip_gen: v7x
topology: tpu7x:2x2x1
jax: 0.10.2.dev20260603
libtpu: 0.0.44.dev20260713+nightly
codegen_flags: <defaults>
</compile_context>

<pallas_src>
import functools

import jax
import jax.numpy as jnp
from jax.experimental import pallas as pl
from jax.experimental.pallas import tpu as pltpu

BLK = 128
CUTOFF = 5.0
EPS = 1e-8
PAD_GI = 10**9


_COS_C = (9.9999999228e-01, -4.9999991772e-01, 4.1666524364e-02,
          -1.3887970411e-03, 2.4773424205e-05, -2.7113373272e-07,
          1.7369133674e-09)
_SIN_C = (9.9999970703e-01, -1.6666577217e-01, 8.3325581326e-03,
          -1.9812575931e-04, 2.7040516974e-06, -2.0534265044e-08)
_TWO_PI_HI = 6.28125
_TWO_PI_LO = 1.9353071795864768e-03
_INV_TWO_PI = 0.15915494309189535


def _cos_clamped(y):
    y = jnp.clip(y, -jnp.pi, jnp.pi)
    z = y * y
    c = _COS_C
    r = c[6]
    for k in (5, 4, 3, 2, 1, 0):
        r = r * z + c[k]
    return r


def _sin_reduced(a):
    q = jnp.floor(a * _INV_TWO_PI + 0.5)
    x = (a - q * _TWO_PI_HI) - q * _TWO_PI_LO
    z = x * x
    s = _SIN_C
    r = s[5]
    for k in (4, 3, 2, 1, 0):
        r = r * z + s[k]
    return x * r


def _phi_body(atoms_ref, embT_ref, Ws1_ref, bs1_ref, Ws2b_ref, bs2b_ref, phiT_ref):
    atp = embT_ref.shape[1]
    arow = atoms_ref[...]
    ioa = jax.lax.broadcasted_iota(jnp.int32, (atp, BLK), 0)
    oh = (ioa == arow).astype(jnp.float32)
    s0T = jax.lax.dot_general(embT_ref[...], oh, (((1,), (0,)), ((), ())),
                              preferred_element_type=jnp.float32)
    h = jax.lax.dot_general(Ws1_ref[...], s0T, (((1,), (0,)), ((), ())),
                            preferred_element_type=jnp.float32) + bs1_ref[...]
    h = h * jax.nn.sigmoid(h)
    phiT_ref[...] = jax.lax.dot_general(Ws2b_ref[...], h, (((1,), (0,)), ((), ())),
                                        preferred_element_type=jnp.float32) + bs2b_ref[...]


def _pair_body(bi_s, bj_s, first_s, last_s, act_s,
               pos_i_ref, posT_j_ref, gcol_ref, grow_ref, Wr2_ref, br2_ref,
               kcol_ref, out_ref, acc_ref, tmp_ref, *, nf, num_rbf):
    p = pl.program_id(0)

    @pl.when(first_s[p] == 1)
    def _():
        acc_ref[...] = jnp.zeros_like(acc_ref)

    @pl.when(act_s[p] == 1)
    def _():
        pos_i = pos_i_ref[...]
        posTj = posT_j_ref[...]
        xi, yi, zi = pos_i[:, 0:1], pos_i[:, 1:2], pos_i[:, 2:3]
        xj, yj, zj = posTj[0:1, :], posTj[1:2, :], posTj[2:3, :]
        g = xi * xj + yi * yj + zi * zj
        pn_i = xi * xi + yi * yi + zi * zi
        pn_j = xj * xj + yj * yj + zj * zj
        d2 = jnp.maximum(pn_i + pn_j - 2.0 * g, 0.0)
        dist = jnp.sqrt(d2)
        m = jnp.logical_and(gcol_ref[...] == grow_ref[...],
                            dist < CUTOFF).astype(jnp.float32)
        nr = jnp.sqrt(d2 + 1e-12)
        inv = 1.0 / (nr + EPS)
        tmp_ref[0 * BLK:1 * BLK, :] = (jnp.pi / CUTOFF) * nr
        tmp_ref[1 * BLK:2 * BLK, :] = inv
        tmp_ref[2 * BLK:3 * BLK, :] = m
        tmp_ref[3 * BLK:4 * BLK, :] = m * ((xi - xj) * inv)
        tmp_ref[4 * BLK:5 * BLK, :] = m * ((yi - yj) * inv)
        tmp_ref[5 * BLK:6 * BLK, :] = m * ((zi - zj) * inv)
        rowact = jnp.sum(m, axis=1, keepdims=True)
        idxc = jax.lax.broadcasted_iota(jnp.int32, (BLK, 1), 0)
        lo = jnp.min(jnp.where(rowact > 0.0, idxc, BLK))
        hi = jnp.max(jnp.where(rowact > 0.0, idxc, -1))
        kvec = kcol_ref[...]
        Wr2 = Wr2_ref[...]
        br2 = br2_ref[...]

        def body(i, carry):
            th = tmp_ref[pl.ds(0 * BLK + i, 1), :]
            iv = tmp_ref[pl.ds(1 * BLK + i, 1), :]
            rbf = _sin_reduced(kvec * th) * iv
            lin = jax.lax.dot_general(Wr2, rbf, (((1,), (0,)), ((), ())),
                                      preferred_element_type=jnp.float32) + br2
            Wp = (0.5 * (_cos_clamped((jnp.pi / CUTOFF) * lin) + 1.0)
                  * (lin < CUTOFF).astype(jnp.float32))
            W2 = Wp[0:nf, :]
            W3 = Wp[nf:2 * nf, :]
            acc_ref[0:nf, :] += W2 * tmp_ref[pl.ds(2 * BLK + i, 1), :]
            acc_ref[nf:2 * nf, :] += W3 * tmp_ref[pl.ds(3 * BLK + i, 1), :]
            acc_ref[2 * nf:3 * nf, :] += W3 * tmp_ref[pl.ds(4 * BLK + i, 1), :]
            acc_ref[3 * nf:4 * nf, :] += W3 * tmp_ref[pl.ds(5 * BLK + i, 1), :]
            return carry

        jax.lax.fori_loop(lo, hi + 1, body, 0)

    @pl.when(last_s[p] == 1)
    def _():
        out_ref[...] = acc_ref[...]


def _mm(a, b, precision=None):
    return jax.lax.dot_general(a, b, (((1,), (0,)), ((), ())),
                               preferred_element_type=jnp.float32,
                               precision=precision)


def _packed_body(bj_s, iw_s, first_s, last_s, act_s, cm_s,
                 posw1_ref, posw2_ref, posj_ref, meta_ref,
                 Wr2_ref, br2_ref, kcol_ref, out_ref, acc_ref, *, nf):
    p = pl.program_id(0)

    @pl.when(first_s[p] == 1)
    def _():
        acc_ref[...] = jnp.zeros_like(acc_ref)

    @pl.when(act_s[p] == 1)
    def _():
        meta = meta_ref[0]
        irel = meta[0:1, :]
        jl = meta[1:2, :]
        vrow = meta[2:3, :].astype(jnp.float32)
        ios = jax.lax.broadcasted_iota(jnp.int32, (BLK, BLK), 0)
        Gi1 = (ios == irel).astype(jnp.float32)
        Gi2 = (ios == (irel - BLK)).astype(jnp.float32)
        Gj = (ios == jl).astype(jnp.float32)
        hi = jax.lax.Precision.HIGHEST
        pi3 = (_mm(posw1_ref[...], Gi1, hi)
               + _mm(posw2_ref[...], Gi2, hi))
        pj3 = _mm(posj_ref[...], Gj, hi)
        xi, yi, zi = pi3[0:1, :], pi3[1:2, :], pi3[2:3, :]
        xj, yj, zj = pj3[0:1, :], pj3[1:2, :], pj3[2:3, :]
        dx = xi - xj
        dy = yi - yj
        dz = zi - zj
        d2m = ((xi * xi + yi * yi + zi * zi) + (xj * xj + yj * yj + zj * zj)
               - 2.0 * (xi * xj + yi * yj + zi * zj))
        dist = jnp.sqrt(jnp.maximum(d2m, 0.0))
        m = vrow * (dist < CUTOFF).astype(jnp.float32)
        nr = jnp.sqrt(dx * dx + dy * dy + dz * dz + 1e-12)
        inv = 1.0 / (nr + EPS)
        th = (jnp.pi / CUTOFF) * nr
        rbf = _sin_reduced(kcol_ref[...] * th) * inv
        lin = _mm(Wr2_ref[...], rbf, hi) + br2_ref[...]
        Wp = (0.5 * (_cos_clamped((jnp.pi / CUTOFF) * lin) + 1.0)
              * (lin < CUTOFF).astype(jnp.float32))
        W2 = Wp[0:nf, :]
        W3 = Wp[nf:2 * nf, :]
        tmp = jnp.concatenate(
            [W2 * m, W3 * (m * (dx * inv)), W3 * (m * (dy * inv)),
             W3 * (m * (dz * inv))], axis=0)
        acc_ref[...] += jax.lax.dot_general(
            tmp, Gj, (((1,), (1,)), ((), ())),
            preferred_element_type=jnp.float32,
            precision=hi)

    @pl.when(last_s[p] == 1)
    def _():
        out_ref[...] = acc_ref[...]


def _update_body(accT_ref, phiT_ref,
                 WUx_ref, bUx_ref, WUy_ref, bUy_ref, WUz_ref, bUz_ref,
                 WVx_ref, bVx_ref, WVy_ref, bVy_ref, WVz_ref, bVz_ref,
                 Wm1_ref, bm1_ref, Wm2_ref, bm2_ref,
                 ds_ref, dv_ref, *, nf):
    phi2 = phiT_ref[0:nf, :]
    phi3 = phiT_ref[nf:2 * nf, :]
    s1T = phi2 * accT_ref[0:nf, :]
    v1x = phi3 * accT_ref[nf:2 * nf, :]
    v1y = phi3 * accT_ref[2 * nf:3 * nf, :]
    v1z = phi3 * accT_ref[3 * nf:4 * nf, :]
    Uvx = _mm(WUx_ref[...], v1x) + bUx_ref[...]
    Uvy = _mm(WUy_ref[...], v1y) + bUy_ref[...]
    Uvz = _mm(WUz_ref[...], v1z) + bUz_ref[...]
    Vvx = _mm(WVx_ref[...], v1x) + bVx_ref[...]
    Vvy = _mm(WVy_ref[...], v1y) + bVy_ref[...]
    Vvz = _mm(WVz_ref[...], v1z) + bVz_ref[...]
    Vn = jnp.sqrt(Vvx * Vvx + Vvy * Vvy + Vvz * Vvz + 1e-12)
    Wm1 = Wm1_ref[...]
    h = _mm(Wm1[:, 0:nf], Vn) + _mm(Wm1[:, nf:2 * nf], s1T) + bm1_ref[...]
    h = h * jax.nn.sigmoid(h)
    mlp = _mm(Wm2_ref[...], h) + bm2_ref[...]
    a_vv = mlp[0:nf, :]
    a_sv = mlp[nf:2 * nf, :]
    a_ss = mlp[2 * nf:3 * nf, :]
    ds_ref[...] = (Uvx * Vvx + Uvy * Vvy + Uvz * Vvz) * a_sv + a_ss
    dv_ref[0:nf, :] = a_vv * Uvx
    dv_ref[nf:2 * nf, :] = a_vv * Uvy
    dv_ref[2 * nf:3 * nf, :] = a_vv * Uvz


def kernel(atoms, atom_positions, graph_indexes, emb, Ws1, bs1, Ws2, bs2, Wr, br,
           Wm1, bm1, Wm2, bm2, WUx, bUx, WUy, bUy, WUz, bUz, WVx, bVx, WVy, bVy,
           WVz, bVz):
    n = atoms.shape[0]
    nf = emb.shape[1]
    num_rbf = Wr.shape[1]
    natype = emb.shape[0]
    atp = ((natype + BLK - 1) // BLK) * BLK
    npad = ((n + BLK - 1) // BLK) * BLK
    nb = npad // BLK
    npair = nb * nb

    f32 = jnp.float32
    pos = jnp.zeros((npad, 3), f32).at[:n].set(atom_positions.astype(f32))
    posT = pos.T
    gi = jnp.full((npad,), PAD_GI, jnp.int32).at[:n].set(
        graph_indexes.astype(jnp.int32))
    gcol = gi[:, None]
    grow = gi[None, :]
    atoms_row = jnp.zeros((1, npad), jnp.int32).at[0, :n].set(
        atoms.astype(jnp.int32))

    embT = jnp.zeros((nf, atp), f32).at[:, :natype].set(emb.T)
    Ws2b = Ws2[nf:3 * nf, :]
    bs2b = bs2[nf:3 * nf][:, None]
    Wr2 = Wr[nf:3 * nf, :]
    br2 = br[nf:3 * nf][:, None]

    phiT = pl.pallas_call(
        _phi_body,
        grid=(nb,),
        in_specs=[
            pl.BlockSpec((1, BLK), lambda b: (0, b)),
            pl.BlockSpec((nf, atp), lambda b: (0, 0)),
            pl.BlockSpec((nf, nf), lambda b: (0, 0)),
            pl.BlockSpec((nf, 1), lambda b: (0, 0)),
            pl.BlockSpec((2 * nf, nf), lambda b: (0, 0)),
            pl.BlockSpec((2 * nf, 1), lambda b: (0, 0)),
        ],
        out_specs=pl.BlockSpec((2 * nf, BLK), lambda b: (0, b)),
        out_shape=jax.ShapeDtypeStruct((2 * nf, npad), f32),
    )(atoms_row, embT, Ws1, bs1[:, None], Ws2b, bs2b)

    gb = gi.reshape(nb, BLK)
    glo = gb[:, 0]
    ghi = gb[:, -1]
    act_mat = (glo[:, None] <= ghi[None, :]) & (glo[None, :] <= ghi[:, None])
    flat = act_mat.T.reshape(-1)
    idx = jnp.nonzero(flat, size=npair, fill_value=0)[0]
    num = jnp.sum(flat.astype(jnp.int32))
    ar = jnp.arange(npair)
    lastidx = idx[num - 1]
    pidx = jnp.where(ar < num, idx, lastidx)
    bi_arr = (pidx % nb).astype(jnp.int32)
    bj_arr = (pidx // nb).astype(jnp.int32)
    act_arr = (ar < num).astype(jnp.int32)
    bj_prev = jnp.concatenate([jnp.array([-1], jnp.int32), bj_arr[:-1]])
    bj_next = jnp.concatenate([bj_arr[1:], jnp.array([-1], jnp.int32)])
    first_arr = ((bj_arr != bj_prev) & (ar < num)).astype(jnp.int32)
    last_arr = (((ar + 1 == num) | (bj_arr != bj_next)) & (ar < num)).astype(
        jnp.int32)

    grid_spec = pltpu.PrefetchScalarGridSpec(
        num_scalar_prefetch=5,
        grid=(npair,),
        in_specs=[
            pl.BlockSpec((BLK, 3), lambda p, bi, bj, f, l, a: (bi[p], 0)),
            pl.BlockSpec((3, BLK), lambda p, bi, bj, f, l, a: (0, bj[p])),
            pl.BlockSpec((BLK, 1), lambda p, bi, bj, f, l, a: (bi[p], 0)),
            pl.BlockSpec((1, BLK), lambda p, bi, bj, f, l, a: (0, bj[p])),
            pl.BlockSpec((2 * nf, num_rbf), lambda p, bi, bj, f, l, a: (0, 0)),
            pl.BlockSpec((2 * nf, 1), lambda p, bi, bj, f, l, a: (0, 0)),
            pl.BlockSpec((num_rbf, 1), lambda p, bi, bj, f, l, a: (0, 0)),
        ],
        out_specs=pl.BlockSpec((4 * nf, BLK), lambda p, bi, bj, f, l, a: (0, bj[p])),
        scratch_shapes=[pltpu.VMEM((4 * nf, BLK), f32),
                        pltpu.VMEM((6 * BLK, BLK), f32)],
    )
    accT_call = pl.pallas_call(
        functools.partial(_pair_body, nf=nf, num_rbf=num_rbf),
        grid_spec=grid_spec,
        out_shape=jax.ShapeDtypeStruct((4 * nf, npad), f32),
    )
    kcol = jnp.arange(1, num_rbf + 1, dtype=f32)[:, None]

    i32 = jnp.int32
    rcap = 2 * npad
    cap = npad // 4
    capl = cap * BLK
    idxn = jnp.arange(npad, dtype=i32)
    brk = gi[1:] != gi[:-1]
    startn = jnp.concatenate([jnp.ones(1, bool), brk])
    endn = jnp.concatenate([brk, jnp.ones(1, bool)])
    ms = jax.lax.cummax(jnp.where(startn, idxn, 0))
    me = jax.lax.cummin(jnp.where(endn, idxn + 1, npad), reverse=True)
    blk0 = jnp.arange(nb, dtype=i32) * BLK
    ilo = jnp.minimum(ms[blk0], n)
    ihi = jnp.minimum(me[blk0 + BLK - 1], n)
    cnt = jnp.maximum(ihi - ilo, 0)
    rstart = jnp.concatenate([jnp.zeros(1, i32),
                              jnp.cumsum(cnt, dtype=i32)])
    rtot = rstart[nb]
    r = jnp.arange(rcap, dtype=i32)
    rvalid = r < rtot
    rb = jnp.clip(jnp.sum((rstart[None, :nb] <= r[:, None]).astype(i32),
                          axis=1) - 1, 0, nb - 1)
    OH = (rb[:, None] == jnp.arange(nb, dtype=i32)[None, :]).astype(f32)
    T1 = jnp.stack([ilo.astype(f32), rstart[:nb].astype(f32)], axis=1)
    G1 = jax.lax.dot_general(OH, T1, (((1,), (0,)), ((), ())),
                             preferred_element_type=f32,
                             precision=jax.lax.Precision.HIGHEST)
    ri = jnp.clip(G1[:, 0].astype(i32) + (r - G1[:, 1].astype(i32)), 0, n - 1)
    rjs = jnp.maximum(jnp.take(ms, ri), rb * BLK)
    rje = jnp.minimum(jnp.take(me, ri), (rb + 1) * BLK)
    rL = jnp.where(rvalid, rje - rjs, 0)
    cumrl = jnp.concatenate([jnp.zeros(1, i32), jnp.cumsum(rL, dtype=i32)])
    cumat = jnp.take(cumrl, rstart)
    Sb = cumat[1:] - cumat[:nb]
    Spad = jnp.maximum(((Sb + BLK - 1) // BLK) * BLK, BLK)
    lanebase = jnp.concatenate([jnp.zeros(1, i32),
                                jnp.cumsum(Spad, dtype=i32)])
    chunkstart = lanebase // BLK
    ctot = chunkstart[nb]
    ttot = lanebase[nb]
    T2 = jnp.stack([lanebase[:nb].astype(f32), cumat[:nb].astype(f32)], axis=1)
    G2 = jax.lax.dot_general(OH, T2, (((1,), (0,)), ((), ())),
                             preferred_element_type=f32,
                             precision=jax.lax.Precision.HIGHEST)
    gls = jnp.where(rvalid,
                    G2[:, 0].astype(i32) + (cumrl[:rcap] - G2[:, 1].astype(i32)),
                    capl)
    lane = jnp.arange(capl, dtype=i32)

    def _dfill(vals, pos, ok):
        prev = jnp.concatenate([jnp.zeros(1, i32), vals[:-1]])
        delta = jnp.where(ok, vals - prev, 0)
        d = jnp.zeros((capl,), i32).at[jnp.minimum(pos, capl - 1)].add(delta)
        return jnp.cumsum(d, dtype=i32)

    li = jnp.clip(_dfill(ri, gls, rvalid), 0, n - 1)
    yv = _dfill(rjs - gls, gls, rvalid)
    bidx = jnp.arange(nb, dtype=i32)
    bok = jnp.ones((nb,), bool)
    lbf = _dfill(bidx, lanebase[:nb], bok)
    wf = _dfill(lanebase[:nb] + Sb, lanebase[:nb], bok)
    lvalid = lane < wf
    ljl = jnp.clip((yv + lane) - lbf * BLK, 0, BLK - 1)
    liM = li.reshape(cap, BLK)
    lvM = lvalid.reshape(cap, BLK)
    minli = jnp.min(jnp.where(lvM, liM, 1 << 30), axis=1)
    iw_c = jnp.clip(minli // BLK, 0, nb - 1).astype(i32)
    irelM = jnp.clip(liM - iw_c[:, None] * BLK, 0, 2 * BLK - 1).astype(i32)
    c = jnp.arange(cap, dtype=i32)
    cb = jnp.clip(jnp.sum((chunkstart[None, :nb] <= c[:, None]).astype(i32),
                          axis=1) - 1, 0, nb - 1)
    actc = c < ctot
    cs_cb = jnp.take(chunkstart, cb)
    cs_cb1 = jnp.take(chunkstart, cb + 1)
    firstc = (actc & (c == cs_cb)).astype(i32)
    lastc = (actc & (c + 1 == cs_cb1)).astype(i32)
    lastreal = jnp.maximum(ctot - 1, 0)
    iw_c = jnp.where(actc, iw_c, iw_c[lastreal]).astype(i32)
    cm_c = jnp.minimum(c, lastreal).astype(i32)
    actc_i = actc.astype(i32)
    okpack = (rtot <= rcap) & (lanebase[nb] <= capl)

    posg = jnp.zeros((3, (nb + 1) * BLK), f32).at[:, :npad].set(posT)
    meta = jnp.zeros((cap, 8, BLK), i32)
    meta = meta.at[:, 0, :].set(irelM)
    meta = meta.at[:, 1, :].set(ljl.reshape(cap, BLK))
    meta = meta.at[:, 2, :].set(lvM.astype(i32))

    packed_spec = pltpu.PrefetchScalarGridSpec(
        num_scalar_prefetch=6,
        grid=(cap,),
        in_specs=[
            pl.BlockSpec((3, BLK), lambda p, bj, iw, fi, la, ac, cm: (0, iw[p])),
            pl.BlockSpec((3, BLK), lambda p, bj, iw, fi, la, ac, cm: (0, iw[p] + 1)),
            pl.BlockSpec((3, BLK), lambda p, bj, iw, fi, la, ac, cm: (0, bj[p])),
            pl.BlockSpec((1, 8, BLK), lambda p, bj, iw, fi, la, ac, cm: (cm[p], 0, 0)),
            pl.BlockSpec((2 * nf, num_rbf), lambda p, bj, iw, fi, la, ac, cm: (0, 0)),
            pl.BlockSpec((2 * nf, 1), lambda p, bj, iw, fi, la, ac, cm: (0, 0)),
            pl.BlockSpec((num_rbf, 1), lambda p, bj, iw, fi, la, ac, cm: (0, 0)),
        ],
        out_specs=pl.BlockSpec((4 * nf, BLK),
                               lambda p, bj, iw, fi, la, ac, cm: (0, bj[p])),
        scratch_shapes=[pltpu.VMEM((4 * nf, BLK), f32)],
    )
    packed_call = pl.pallas_call(
        functools.partial(_packed_body, nf=nf),
        grid_spec=packed_spec,
        out_shape=jax.ShapeDtypeStruct((4 * nf, npad), f32),
    )

    def _run_packed(_):
        return packed_call(bj_arr_p, iw_c, firstc, lastc, actc_i, cm_c,
                           posg, posg, posg, meta, Wr2, br2, kcol)

    def _run_tiles(_):
        return accT_call(bi_arr, bj_arr, first_arr, last_arr, act_arr,
                         pos, posT, gcol, grow, Wr2, br2, kcol)

    bj_arr_p = cb
    accT = jax.lax.cond(okpack, _run_packed, _run_tiles, None)

    wspec = pl.BlockSpec((nf, nf), lambda b: (0, 0))
    bspec = pl.BlockSpec((nf, 1), lambda b: (0, 0))
    dsT, dvT = pl.pallas_call(
        functools.partial(_update_body, nf=nf),
        grid=(nb,),
        in_specs=[
            pl.BlockSpec((4 * nf, BLK), lambda b: (0, b)),
            pl.BlockSpec((2 * nf, BLK), lambda b: (0, b)),
            wspec, bspec, wspec, bspec, wspec, bspec,
            wspec, bspec, wspec, bspec, wspec, bspec,
            pl.BlockSpec((nf, 2 * nf), lambda b: (0, 0)),
            bspec,
            pl.BlockSpec((3 * nf, nf), lambda b: (0, 0)),
            pl.BlockSpec((3 * nf, 1), lambda b: (0, 0)),
        ],
        out_specs=[
            pl.BlockSpec((nf, BLK), lambda b: (0, b)),
            pl.BlockSpec((3 * nf, BLK), lambda b: (0, b)),
        ],
        out_shape=[
            jax.ShapeDtypeStruct((nf, npad), f32),
            jax.ShapeDtypeStruct((3 * nf, npad), f32),
        ],
    )(accT, phiT,
      WUx, bUx[:, None], WUy, bUy[:, None], WUz, bUz[:, None],
      WVx, bVx[:, None], WVy, bVy[:, None], WVz, bVz[:, None],
      Wm1, bm1[:, None], Wm2, bm2[:, None])

    delta_s = dsT.T[:n]
    delta_v = jnp.stack([dvT[0:nf, :].T[:n], dvT[nf:2 * nf, :].T[:n],
                         dvT[2 * nf:3 * nf, :].T[:n]], axis=2)
    return delta_s, delta_v

# --- scband reference (transcript-rebuilt; emitter-appended) ---
"""Pipeline reference for scband-pai-nn-48679159333142 (READ-ONLY COPY).

The authoritative reference and input builder live on the scoring server;
editing this copy changes nothing except your own understanding.
"""

import jax, jax.numpy as jnp
import numpy as np

N_NODES = 10000
N_MOL = 500
NUM_ATOM_TYPES = 100
NF = 128
NUM_RBF = 20
CUTOFF = 5.0
EPS = 1e-08


def _p(key, i, shape, scale=0.05):
    return jax.random.normal(jax.random.fold_in(key, i), shape, dtype=jnp.float32) * scale


def setup_inputs(seed: int = 0) -> dict:
    key = jax.random.key(seed)
    atoms = jax.random.randint(jax.random.fold_in(key, 1), (N_NODES,), 0, NUM_ATOM_TYPES)
    atom_positions = jax.random.normal(jax.random.fold_in(key, 2), (N_NODES, 3), dtype=jnp.float32)
    graph_indexes = jnp.sort(jax.random.randint(jax.random.fold_in(key, 3), (N_NODES,), 0, N_MOL))
    inp = {
        'atoms': atoms,
        'atom_positions': atom_positions,
        'graph_indexes': graph_indexes,
        'emb': _p(key, 10, (NUM_ATOM_TYPES, NF), 1.0),
        'Ws1': _p(key, 11, (NF, NF)), 'bs1': _p(key, 12, (NF,)),
        'Ws2': _p(key, 13, (3 * NF, NF)), 'bs2': _p(key, 14, (3 * NF,)),
        'Wr': _p(key, 15, (3 * NF, NUM_RBF)), 'br': _p(key, 16, (3 * NF,)),
        'Wm1': _p(key, 17, (NF, 2 * NF)), 'bm1': _p(key, 18, (NF,)),
        'Wm2': _p(key, 19, (3 * NF, NF)), 'bm2': _p(key, 20, (3 * NF,)),
        'WUx': _p(key, 21, (NF, NF)), 'bUx': _p(key, 22, (NF,)),
        'WUy': _p(key, 23, (NF, NF)), 'bUy': _p(key, 24, (NF,)),
        'WUz': _p(key, 25, (NF, NF)), 'bUz': _p(key, 26, (NF,)),
        'WVx': _p(key, 27, (NF, NF)), 'bVx': _p(key, 28, (NF,)),
        'WVy': _p(key, 29, (NF, NF)), 'bVy': _p(key, 30, (NF,)),
        'WVz': _p(key, 31, (NF, NF)), 'bVz': _p(key, 32, (NF,)),
    }
    return inp


def _edges(pos_np, gi_np):
    # faithful to calculate_rij: for each i, all j in same molecule with ||p_i - p_j|| < cutoff
    # (includes self-loops, row-major (i-outer) order, same as the python loop)
    pos_np = pos_np.astype(np.float32)
    pn = (pos_np ** 2).sum(1)
    d2 = pn[:, None] + pn[None, :] - 2.0 * pos_np @ pos_np.T
    dist = np.sqrt(np.maximum(d2, 0.0))
    mask = (gi_np[:, None] == gi_np[None, :]) & (dist < CUTOFF)
    idx_i, idx_j = np.nonzero(mask)
    return idx_i.astype(np.int64), idx_j.astype(np.int64)


def reference(atoms, atom_positions, graph_indexes, emb, Ws1, bs1, Ws2, bs2, Wr, br,
              Wm1, bm1, Wm2, bm2, WUx, bUx, WUy, bUy, WUz, bUz, WVx, bVx, WVy, bVy, WVz, bVz):
    N = atoms.shape[0]

    s0 = jnp.take(emb, atoms, axis=0)                           # embedding lookup
    v0 = jnp.zeros((N, NF, 3), dtype=jnp.float32)

    # --- message ---
    phi = jax.nn.silu(s0 @ Ws1.T + bs1) @ Ws2.T + bs2           # [N, 384]
    pn = atom_positions[:, 0] ** 2 + atom_positions[:, 1] ** 2 + atom_positions[:, 2] ** 2
    n = jnp.arange(1, NUM_RBF + 1, dtype=jnp.float32)[None, :]

    def body(i, carry):
        s1_acc, v1_acc = carry
        pos_i = atom_positions[i]
        g = (atom_positions[:, 0] * pos_i[0]
             + atom_positions[:, 1] * pos_i[1]
             + atom_positions[:, 2] * pos_i[2])
        d2 = pn[i] + pn - 2.0 * g
        dist = jnp.sqrt(jnp.maximum(d2, 0.0))
        mask = (graph_indexes == graph_indexes[i]) & (dist < CUTOFF)
        r_vec = pos_i[None, :] - atom_positions                 # [N, 3]
        norm_r = jnp.sqrt(jnp.sum(r_vec ** 2, axis=1) + 1e-12)[:, None]
        rbf = jnp.sin(n * (jnp.pi / CUTOFF) * norm_r) / (norm_r + EPS)  # [N, 20]
        lin_r = rbf @ Wr.T + br                                 # [N, 384]
        W = 0.5 * (jnp.cos(jnp.pi * lin_r / CUTOFF) + 1.0) * (lin_r < CUTOFF).astype(jnp.float32)
        split = phi * W                                         # gather by j (j spans all nodes)
        sp1 = split[:, :NF]
        sp2 = split[:, NF:2 * NF]
        sp3 = split[:, 2 * NF:]
        left1 = v0 * sp1[:, :, None]
        right1 = sp3[:, :, None] * (r_vec / (norm_r + EPS))[:, None, :]
        left2 = left1 + right1
        s1_acc = s1_acc + jnp.where(mask[:, None], sp2, 0.0)
        v1_acc = v1_acc + jnp.where(mask[:, None, None], left2, 0.0)
        return (s1_acc, v1_acc)

    s1, v1 = jax.lax.fori_loop(0, N, body, (jnp.zeros_like(s0), jnp.zeros_like(v0)))

    # --- update ---
    Uv = jnp.stack([v1[:, :, 0] @ WUx.T + bUx,
                    v1[:, :, 1] @ WUy.T + bUy,
                    v1[:, :, 2] @ WUz.T + bUz], axis=2)
    Vv = jnp.stack([v1[:, :, 0] @ WVx.T + bVx,
                    v1[:, :, 1] @ WVy.T + bVy,
                    v1[:, :, 2] @ WVz.T + bVz], axis=2)
    Vv_norm = jnp.sqrt(jnp.sum(Vv ** 2, axis=2) + 1e-12)
    mlp_in = jnp.concatenate([Vv_norm, s1], axis=1)
    mlp = jax.nn.silu(mlp_in @ Wm1.T + bm1) @ Wm2.T + bm2
    a_vv = mlp[:, :NF]
    a_sv = mlp[:, NF:2 * NF]
    a_ss = mlp[:, 2 * NF:]
    delta_v = a_vv[:, :, None] * Uv
    delta_s = jnp.sum(Uv * Vv, axis=2) * a_sv + a_ss
    return delta_s, delta_v

if __name__ == "__main__":
    import jax
    _d = setup_inputs()
    print(jax.jit(kernel)(*tuple(_d.values())))

</pallas_src>

<mosaic_0001>
module attributes {stable_mosaic.version = 14 : i64} {
  func.func @_phi_body(%arg0: i32, %arg1: memref<1x128xi32, #tpu.memory_space<vmem>>, %arg2: memref<128x128xf32, #tpu.memory_space<vmem>>, %arg3: memref<128x128xf32, #tpu.memory_space<vmem>>, %arg4: memref<128x1xf32, #tpu.memory_space<vmem>>, %arg5: memref<256x128xf32, #tpu.memory_space<vmem>>, %arg6: memref<256x1xf32, #tpu.memory_space<vmem>>, %arg7: memref<256x128xf32, #tpu.memory_space<vmem>>) attributes {dimension_semantics = [#tpu.dimension_semantics<arbitrary>], iteration_bounds = array<i64: 79>, scalar_prefetch = 0 : i64, scratch_operands = 0 : i64, tpu.core_type = #tpu.core_type<tc>, window_params = [{transform_indices = @transform_0, window_bounds = array<i64: 1, 128>}, {pipeline_mode = #tpu.pipeline_mode<synchronous>, transform_indices = @transform_1, window_bounds = array<i64: 128, 128>}, {pipeline_mode = #tpu.pipeline_mode<synchronous>, transform_indices = @transform_2, window_bounds = array<i64: 128, 128>}, {pipeline_mode = #tpu.pipeline_mode<synchronous>, transform_indices = @transform_3, window_bounds = array<i64: 128, 1>}, {pipeline_mode = #tpu.pipeline_mode<synchronous>, transform_indices = @transform_4, window_bounds = array<i64: 256, 128>}, {pipeline_mode = #tpu.pipeline_mode<synchronous>, transform_indices = @transform_5, window_bounds = array<i64: 256, 1>}, {transform_indices = @transform_6, window_bounds = array<i64: 256, 128>}]} {
    %get3A = arith.constant 0 : index
    %get3A_0 = arith.constant 0 : index
    %get3A_1 = vector.load %arg1[%get3A, %get3A_0] : memref<1x128xi32, #tpu.memory_space<vmem>>, vector<1x128xi32>
    %iota3A = tpu.iota {dimensions = array<i32: 0>} : vector<128x128xi32>
    %eq3A = vector.broadcast %get3A_1 : vector<1x128xi32> to vector<128x128xi32>
    %eq3A_2 = arith.cmpi eq, %iota3A, %eq3A : vector<128x128xi32>
    %convert_element_type3A = arith.extui %eq3A_2 : vector<128x128xi1> to vector<128x128xi32>
    %convert_element_type3A_3 = arith.sitofp %convert_element_type3A : vector<128x128xi32> to vector<128x128xf32>
    %get3A_4 = arith.constant 0 : index
    %get3A_5 = arith.constant 0 : index
    %get3A_6 = vector.load %arg2[%get3A_4, %get3A_5] : memref<128x128xf32, #tpu.memory_space<vmem>>, vector<128x128xf32>
    %dot_general3A = arith.constant dense<0.000000e+00> : vector<128x128xf32>
    %dot_general3A_7 = tpu.matmul %get3A_6, %convert_element_type3A_3, %dot_general3A {dimension_numbers = #tpu.dot_dimension_numbers<[1], [0], [0], [1], [0, 0, 1, 1], [], []>, transpose_lhs_hint = false} : vector<128x128xf32>, vector<128x128xf32>, vector<128x128xf32> -> vector<128x128xf32>
    %get3A_8 = arith.constant 0 : index
    %get3A_9 = arith.constant 0 : index
    %get3A_10 = vector.load %arg3[%get3A_8, %get3A_9] : memref<128x128xf32, #tpu.memory_space<vmem>>, vector<128x128xf32>
    %dot_general3A_11 = arith.constant dense<0.000000e+00> : vector<128x128xf32>
    %dot_general3A_12 = tpu.matmul %get3A_10, %dot_general3A_7, %dot_general3A_11 {dimension_numbers = #tpu.dot_dimension_numbers<[1], [0], [0], [1], [0, 0, 1, 1], [], []>, transpose_lhs_hint = false} : vector<128x128xf32>, vector<128x128xf32>, vector<128x128xf32> -> vector<128x128xf32>
    %get3A_13 = arith.constant 0 : index
    %get3A_14 = arith.constant 0 : index
    %get3A_15 = vector.load %arg4[%get3A_13, %get3A_14] : memref<128x1xf32, #tpu.memory_space<vmem>>, vector<128x1xf32>
    %add3A = vector.broadcast %get3A_15 : vector<128x1xf32> to vector<128x128xf32>
    %add3A_16 = arith.addf %dot_general3A_12, %add3A : vector<128x128xf32>
    %logistic3A = arith.negf %add3A_16 : vector<128x128xf32>
    %logistic3A_17 = math.exp %logistic3A : vector<128x128xf32>
    %logistic3A_18 = arith.constant 1.000000e+00 : f32
    %logistic3A_19 = vector.broadcast %logistic3A_18 : f32 to vector<128x128xf32>
    %logistic3A_20 = arith.addf %logistic3A_19, %logistic3A_17 : vector<128x128xf32>
    %logistic3A_21 = arith.divf %logistic3A_19, %logistic3A_20 : vector<128x128xf32>
    %mul3A = arith.mulf %add3A_16, %logistic3A_21 : vector<128x128xf32>
    %get3A_22 = arith.constant 0 : index
    %get3A_23 = arith.constant 0 : index
    %get3A_24 = vector.load %arg5[%get3A_22, %get3A_23] : memref<256x128xf32, #tpu.memory_space<vmem>>, vector<256x128xf32>
    %dot_general3A_25 = arith.constant dense<0.000000e+00> : vector<256x128xf32>
    %dot_general3A_26 = tpu.matmul %get3A_24, %mul3A, %dot_general3A_25 {dimension_numbers = #tpu.dot_dimension_numbers<[1], [0], [0], [1], [0, 0, 1, 1], [], []>, transpose_lhs_hint = false} : vector<256x128xf32>, vector<128x128xf32>, vector<256x128xf32> -> vector<256x128xf32>
    %get3A_27 = arith.constant 0 : index
    %get3A_28 = arith.constant 0 : index
    %get3A_29 = vector.load %arg6[%get3A_27, %get3A_28] : memref<256x1xf32, #tpu.memory_space<vmem>>, vector<256x1xf32>
    %add3A_30 = vector.broadcast %get3A_29 : vector<256x1xf32> to vector<256x128xf32>
    %add3A_31 = arith.addf %dot_general3A_26, %add3A_30 : vector<256x128xf32>
    %swap3A = arith.constant 0 : index
    %swap3A_32 = arith.constant 0 : index
    %swap3A_33 = vector.load %arg7[%swap3A, %swap3A_32] : memref<256x128xf32, #tpu.memory_space<vmem>>, vector<256x128xf32>
    tpu.vector_store %arg7[%swap3A, %swap3A_32], %add3A_31 {strides = array<i32>} : memref<256x128xf32, #tpu.memory_space<vmem>>, vector<256x128xf32>,
    return
  }
  func.func @transform_0(%arg0: i32) -> (i32, i32) {
    %c0_i32 = arith.constant 0 : i32
    %c0_i32_0 = arith.constant 0 : i32
    return %c0_i32, %arg0 : i32, i32
  }
  func.func @transform_1(%arg0: i32) -> (i32, i32) {
    %c0_i32 = arith.constant 0 : i32
    %c0_i32_0 = arith.constant 0 : i32
    %c0_i32_1 = arith.constant 0 : i32
    return %c0_i32, %c0_i32_0 : i32, i32
  }
  func.func @transform_2(%arg0: i32) -> (i32, i32) {
    %c0_i32 = arith.constant 0 : i32
    %c0_i32_0 = arith.constant 0 : i32
    %c0_i32_1 = arith.constant 0 : i32
    return %c0_i32, %c0_i32_0 : i32, i32
  }
  func.func @transform_3(%arg0: i32) -> (i32, i32) {
    %c0_i32 = arith.constant 0 : i32
    %c0_i32_0 = arith.constant 0 : i32
    %c0_i32_1 = arith.constant 0 : i32
    return %c0_i32, %c0_i32_0 : i32, i32
  }
  func.func @transform_4(%arg0: i32) -> (i32, i32) {
    %c0_i32 = arith.constant 0 : i32
    %c0_i32_0 = arith.constant 0 : i32
    %c0_i32_1 = arith.constant 0 : i32
    return %c0_i32, %c0_i32_0 : i32, i32
  }
  func.func @transform_5(%arg0: i32) -> (i32, i32) {
    %c0_i32 = arith.constant 0 : i32
    %c0_i32_0 = arith.constant 0 : i32
    %c0_i32_1 = arith.constant 0 : i32
    return %c0_i32, %c0_i32_0 : i32, i32
  }
  func.func @transform_6(%arg0: i32) -> (i32, i32) {
    %c0_i32 = arith.constant 0 : i32
    %c0_i32_0 = arith.constant 0 : i32
    return %c0_i32, %arg0 : i32, i32
  }
}

module attributes {stable_mosaic.version = 14 : i64} {
  func.func @_pair_body(%arg0: i32, %arg1: memref<6241xi32, #tpu.memory_space<smem>>, %arg2: memref<6241xi32, #tpu.memory_space<smem>>, %arg3: memref<6241xi32, #tpu.memory_space<smem>>, %arg4: memref<6241xi32, #tpu.memory_space<smem>>, %arg5: memref<6241xi32, #tpu.memory_space<smem>>, %arg6: memref<128x3xf32, #tpu.memory_space<vmem>>, %arg7: memref<3x128xf32, #tpu.memory_space<vmem>>, %arg8: memref<128x1xi32, #tpu.memory_space<vmem>>, %arg9: memref<1x128xi32, #tpu.memory_space<vmem>>, %arg10: memref<256x20xf32, #tpu.memory_space<vmem>>, %arg11: memref<256x1xf32, #tpu.memory_space<vmem>>, %arg12: memref<20x1xf32, #tpu.memory_space<vmem>>, %arg13: memref<512x128xf32, #tpu.memory_space<vmem>>, %arg14: memref<512x128xf32, #tpu.memory_space<vmem>>, %arg15: memref<768x128xf32, #tpu.memory_space<vmem>>) attributes {dimension_semantics = [#tpu.dimension_semantics<arbitrary>], iteration_bounds = array<i64: 6241>, scalar_prefetch = 5 : i64, scratch_operands = 2 : i64, tpu.core_type = #tpu.core_type<tc>, window_params = [{transform_indices = @transform_0, window_bounds = array<i64: 128, 3>}, {transform_indices = @transform_1, window_bounds = array<i64: 3, 128>}, {transform_indices = @transform_2, window_bounds = array<i64: 128, 1>}, {transform_indices = @transform_3, window_bounds = array<i64: 1, 128>}, {pipeline_mode = #tpu.pipeline_mode<synchronous>, transform_indices = @transform_4, window_bounds = array<i64: 256, 20>}, {pipeline_mode = #tpu.pipeline_mode<synchronous>, transform_indices = @transform_5, window_bounds = array<i64: 256, 1>}, {pipeline_mode = #tpu.pipeline_mode<synchronous>, transform_indices = @transform_6, window_bounds = array<i64: 20, 1>}, {transform_indices = @transform_7, window_bounds = array<i64: 512, 128>}]} {
    %get3A = arith.index_cast %arg0 : i32 to index
    %get3A_0 = memref.load %arg3[%get3A] : memref<6241xi32, #tpu.memory_space<smem>>
    %eq3A = arith.constant 1 : i32
    %eq3A_1 = arith.cmpi eq, %get3A_0, %eq3A : i32
    %convert_element_type3A = arith.extui %eq3A_1 : i1 to i32
    %cond3A = arith.constant 0 : i32
    %cond3A_2 = arith.cmpi ne, %convert_element_type3A, %cond3A : i32
    scf.if %cond3A_2 {
      %broadcast_in_dim3A = arith.constant 0.000000e+00 : f32
      %broadcast_in_dim3A_17 = vector.broadcast %broadcast_in_dim3A : f32 to vector<512x128xf32>
      %swap3A = arith.constant 0 : index
      %swap3A_18 = arith.constant 0 : index
      %swap3A_19 = vector.load %arg14[%swap3A, %swap3A_18] : memref<512x128xf32, #tpu.memory_space<vmem>>, vector<512x128xf32>
      tpu.vector_store %arg14[%swap3A, %swap3A_18], %broadcast_in_dim3A_17 {strides = array<i32>} : memref<512x128xf32, #tpu.memory_space<vmem>>, vector<512x128xf32>,
    } else {
    }
    %get3A_3 = arith.index_cast %arg0 : i32 to index
    %get3A_4 = memref.load %arg5[%get3A_3] : memref<6241xi32, #tpu.memory_space<smem>>
    %eq3A_5 = arith.constant 1 : i32
    %eq3A_6 = arith.cmpi eq, %get3A_4, %eq3A_5 : i32
    %convert_element_type3A_7 = arith.extui %eq3A_6 : i1 to i32
    %cond3A_8 = arith.constant 0 : i32
    %cond3A_9 = arith.cmpi ne, %convert_element_type3A_7, %cond3A_8 : i32
    scf.if %cond3A_9 {
      %get3A_17 = arith.constant 0 : index
      %get3A_18 = arith.constant 0 : index
      %get3A_19 = vector.load %arg6[%get3A_17, %get3A_18] : memref<128x3xf32, #tpu.memory_space<vmem>>, vector<128x3xf32>
      %get3A_20 = arith.constant 0 : index
      %get3A_21 = arith.constant 0 : index
      %get3A_22 = vector.load %arg7[%get3A_20, %get3A_21] : memref<3x128xf32, #tpu.memory_space<vmem>>, vector<3x128xf32>
      %slice3A = vector.extract_strided_slice %get3A_19 {offsets = [0, 0], sizes = [128, 1], strides = [1, 1]} : vector<128x3xf32> to vector<128x1xf32>
      %slice3A_23 = vector.extract_strided_slice %get3A_19 {offsets = [0, 1], sizes = [128, 1], strides = [1, 1]} : vector<128x3xf32> to vector<128x1xf32>
      %slice3A_24 = vector.extract_strided_slice %get3A_19 {offsets = [0, 2], sizes = [128, 1], strides = [1, 1]} : vector<128x3xf32> to vector<128x1xf32>
      %slice3A_25 = vector.extract_strided_slice %get3A_22 {offsets = [0, 0], sizes = [1, 128], strides = [1, 1]} : vector<3x128xf32> to vector<1x128xf32>
      %slice3A_26 = vector.extract_strided_slice %get3A_22 {offsets = [1, 0], sizes = [1, 128], strides = [1, 1]} : vector<3x128xf32> to vector<1x128xf32>
      %slice3A_27 = vector.extract_strided_slice %get3A_22 {offsets = [2, 0], sizes = [1, 128], strides = [1, 1]} : vector<3x128xf32> to vector<1x128xf32>
      %mul3A = vector.broadcast %slice3A : vector<128x1xf32> to vector<128x128xf32>
      %mul3A_28 = vector.broadcast %slice3A_25 : vector<1x128xf32> to vector<128x128xf32>
      %mul3A_29 = arith.mulf %mul3A, %mul3A_28 : vector<128x128xf32>
      %mul3A_30 = vector.broadcast %slice3A_23 : vector<128x1xf32> to vector<128x128xf32>
      %mul3A_31 = vector.broadcast %slice3A_26 : vector<1x128xf32> to vector<128x128xf32>
      %mul3A_32 = arith.mulf %mul3A_30, %mul3A_31 : vector<128x128xf32>
      %add3A = arith.addf %mul3A_29, %mul3A_32 : vector<128x128xf32>
      %mul3A_33 = vector.broadcast %slice3A_24 : vector<128x1xf32> to vector<128x128xf32>
      %mul3A_34 = vector.broadcast %slice3A_27 : vector<1x128xf32> to vector<128x128xf32>
      %mul3A_35 = arith.mulf %mul3A_33, %mul3A_34 : vector<128x128xf32>
      %add3A_36 = arith.addf %add3A, %mul3A_35 : vector<128x128xf32>
      %mul3A_37 = arith.mulf %slice3A, %slice3A : vector<128x1xf32>
      %mul3A_38 = arith.mulf %slice3A_23, %slice3A_23 : vector<128x1xf32>
      %add3A_39 = arith.addf %mul3A_37, %mul3A_38 : vector<128x1xf32>
      %mul3A_40 = arith.mulf %slice3A_24, %slice3A_24 : vector<128x1xf32>
      %add3A_41 = arith.addf %add3A_39, %mul3A_40 : vector<128x1xf32>
      %mul3A_42 = arith.mulf %slice3A_25, %slice3A_25 : vector<1x128xf32>
      %mul3A_43 = arith.mulf %slice3A_26, %slice3A_26 : vector<1x128xf32>
      %add3A_44 = arith.addf %mul3A_42, %mul3A_43 : vector<1x128xf32>
      %mul3A_45 = arith.mulf %slice3A_27, %slice3A_27 : vector<1x128xf32>
      %add3A_46 = arith.addf %add3A_44, %mul3A_45 : vector<1x128xf32>
      %add3A_47 = vector.broadcast %add3A_41 : vector<128x1xf32> to vector<128x128xf32>
      %add3A_48 = vector.broadcast %add3A_46 : vector<1x128xf32> to vector<128x128xf32>
      %add3A_49 = arith.addf %add3A_47, %add3A_48 : vector<128x128xf32>
      %mul3A_50 = arith.constant 2.000000e+00 : f32
      %mul3A_51 = vector.broadcast %mul3A_50 : f32 to vector<128x128xf32>
      %mul3A_52 = arith.mulf %mul3A_51, %add3A_36 : vector<128x128xf32>
      %sub3A = arith.subf %add3A_49, %mul3A_52 : vector<128x128xf32>
      %max3A = arith.constant 0.000000e+00 : f32
      %max3A_53 = vector.broadcast %max3A : f32 to vector<128x128xf32>
      %max3A_54 = arith.maximumf %sub3A, %max3A_53 : vector<128x128xf32>
      %sqrt3A = math.sqrt %max3A_54 : vector<128x128xf32>
      %get3A_55 = arith.constant 0 : index
      %get3A_56 = arith.constant 0 : index
      %get3A_57 = vector.load %arg8[%get3A_55, %get3A_56] : memref<128x1xi32, #tpu.memory_space<vmem>>, vector<128x1xi32>
      %get3A_58 = arith.constant 0 : index
      %get3A_59 = arith.constant 0 : index
      %get3A_60 = vector.load %arg9[%get3A_58, %get3A_59] : memref<1x128xi32, #tpu.memory_space<vmem>>, vector<1x128xi32>
      %eq3A_61 = vector.broadcast %get3A_57 : vector<128x1xi32> to vector<128x128xi32>
      %eq3A_62 = vector.broadcast %get3A_60 : vector<1x128xi32> to vector<128x128xi32>
      %eq3A_63 = arith.cmpi eq, %eq3A_61, %eq3A_62 : vector<128x128xi32>
      %lt3A = arith.constant 5.000000e+00 : f32
      %lt3A_64 = vector.broadcast %lt3A : f32 to vector<128x128xf32>
      %lt3A_65 = arith.cmpf olt, %sqrt3A, %lt3A_64 : vector<128x128xf32>
      %and3A = arith.andi %eq3A_63, %lt3A_65 : vector<128x128xi1>
      %convert_element_type3A_66 = arith.extui %and3A : vector<128x128xi1> to vector<128x128xi32>
      %convert_element_type3A_67 = arith.sitofp %convert_element_type3A_66 : vector<128x128xi32> to vector<128x128xf32>
      %add3A_68 = arith.constant 9.99999996E-13 : f32
      %add3A_69 = vector.broadcast %add3A_68 : f32 to vector<128x128xf32>
      %add3A_70 = arith.addf %max3A_54, %add3A_69 : vector<128x128xf32>
      %sqrt3A_71 = math.sqrt %add3A_70 : vector<128x128xf32>
      %add3A_72 = arith.constant 9.99999993E-9 : f32
      %add3A_73 = vector.broadcast %add3A_72 : f32 to vector<128x128xf32>
      %add3A_74 = arith.addf %sqrt3A_71, %add3A_73 : vector<128x128xf32>
      %div3A = arith.constant 1.000000e+00 : f32
      %div3A_75 = vector.broadcast %div3A : f32 to vector<128x128xf32>
      %div3A_76 = arith.divf %div3A_75, %add3A_74 : vector<128x128xf32>
      %mul3A_77 = arith.constant 0.628318548 : f32
      %mul3A_78 = vector.broadcast %mul3A_77 : f32 to vector<128x128xf32>
      %mul3A_79 = arith.mulf %mul3A_78, %sqrt3A_71 : vector<128x128xf32>
      %swap3A = arith.constant 0 : index
      %swap3A_80 = arith.constant 0 : index
      %swap3A_81 = vector.load %arg15[%swap3A, %swap3A_80] : memref<768x128xf32, #tpu.memory_space<vmem>>, vector<128x128xf32>
      tpu.vector_store %arg15[%swap3A, %swap3A_80], %mul3A_79 {strides = array<i32>} : memref<768x128xf32, #tpu.memory_space<vmem>>, vector<128x128xf32>,
      %swap3A_82 = arith.constant 128 : index
      %swap3A_83 = arith.constant 0 : index
      %swap3A_84 = vector.load %arg15[%swap3A_82, %swap3A_83] : memref<768x128xf32, #tpu.memory_space<vmem>>, vector<128x128xf32>
      tpu.vector_store %arg15[%swap3A_82, %swap3A_83], %div3A_76 {strides = array<i32>} : memref<768x128xf32, #tpu.memory_space<vmem>>, vector<128x128xf32>,
      %swap3A_85 = arith.constant 256 : index
      %swap3A_86 = arith.constant 0 : index
      %swap3A_87 = vector.load %arg15[%swap3A_85, %swap3A_86] : memref<768x128xf32, #tpu.memory_space<vmem>>, vector<128x128xf32>
      tpu.vector_store %arg15[%swap3A_85, %swap3A_86], %convert_element_type3A_67 {strides = array<i32>} : memref<768x128xf32, #tpu.memory_space<vmem>>, vector<128x128xf32>,
      %sub3A_88 = vector.broadcast %slice3A : vector<128x1xf32> to vector<128x128xf32>
      %sub3A_89 = vector.broadcast %slice3A_25 : vector<1x128xf32> to vector<128x128xf32>
      %sub3A_90 = arith.subf %sub3A_88, %sub3A_89 : vector<128x128xf32>
      %mul3A_91 = arith.mulf %sub3A_90, %div3A_76 : vector<128x128xf32>
      %mul3A_92 = arith.mulf %convert_element_type3A_67, %mul3A_91 : vector<128x128xf32>
      %swap3A_93 = arith.constant 384 : index
      %swap3A_94 = arith.constant 0 : index
      %swap3A_95 = vector.load %arg15[%swap3A_93, %swap3A_94] : memref<768x128xf32, #tpu.memory_space<vmem>>, vector<128x128xf32>
      tpu.vector_store %arg15[%swap3A_93, %swap3A_94], %mul3A_92 {strides = array<i32>} : memref<768x128xf32, #tpu.memory_space<vmem>>, vector<128x128xf32>,
      %sub3A_96 = vector.broadcast %slice3A_23 : vector<128x1xf32> to vector<128x128xf32>
      %sub3A_97 = vector.broadcast %slice3A_26 : vector<1x128xf32> to vector<128x128xf32>
      %sub3A_98 = arith.subf %sub3A_96, %sub3A_97 : vector<128x128xf32>
      %mul3A_99 = arith.mulf %sub3A_98, %div3A_76 : vector<128x128xf32>
      %mul3A_100 = arith.mulf %convert_element_type3A_67, %mul3A_99 : vector<128x128xf32>
      %swap3A_101 = arith.constant 512 : index
      %swap3A_102 = arith.constant 0 : index
      %swap3A_103 = vector.load %arg15[%swap3A_101, %swap3A_102] : memref<768x128xf32, #tpu.memory_space<vmem>>, vector<128x128xf32>
      tpu.vector_store %arg15[%swap3A_101, %swap3A_102], %mul3A_100 {strides = array<i32>} : memref<768x128xf32, #tpu.memory_space<vmem>>, vector<128x128xf32>,
      %sub3A_104 = vector.broadcast %slice3A_24 : vector<128x1xf32> to vector<128x128xf32>
      %sub3A_105 = vector.broadcast %slice3A_27 : vector<1x128xf32> to vector<128x128xf32>
      %sub3A_106 = arith.subf %sub3A_104, %sub3A_105 : vector<128x128xf32>
      %mul3A_107 = arith.mulf %sub3A_106, %div3A_76 : vector<128x128xf32>
      %mul3A_108 = arith.mulf %convert_element_type3A_67, %mul3A_107 : vector<128x128xf32>
      %swap3A_109 = arith.constant 640 : index
      %swap3A_110 = arith.constant 0 : index
      %swap3A_111 = vector.load %arg15[%swap3A_109, %swap3A_110] : memref<768x128xf32, #tpu.memory_space<vmem>>, vector<128x128xf32>
      tpu.vector_store %arg15[%swap3A_109, %swap3A_110], %mul3A_108 {strides = array<i32>} : memref<768x128xf32, #tpu.memory_space<vmem>>, vector<128x128xf32>,
      %reduce_sum3A = arith.constant dense<0.000000e+00> : vector<128xf32>
      %reduce_sum3A_112 = vector.multi_reduction <add>, %convert_element_type3A_67, %reduce_sum3A [1] : vector<128x128xf32> to vector<128xf32>
      %broadcast_in_dim3A = vector.shape_cast %reduce_sum3A_112 : vector<128xf32> to vector<128x1xf32>
      %iota3A = tpu.iota {dimensions = array<i32: 0>} : vector<128x1xi32>
      %gt3A = arith.constant 0.000000e+00 : f32
      %gt3A_113 = vector.broadcast %gt3A : f32 to vector<128x1xf32>
      %gt3A_114 = arith.cmpf ogt, %broadcast_in_dim3A, %gt3A_113 : vector<128x1xf32>
      %jit3A = arith.constant 128 : i32
      %broadcast_in_dim3A_115 = vector.broadcast %jit3A : i32 to vector<128x1xi32>
      %select_n3A = arith.select %gt3A_114, %iota3A, %broadcast_in_dim3A_115 : vector<128x1xi1>, vector<128x1xi32>
      %reduce_min3A = vector.shape_cast %select_n3A : vector<128x1xi32> to vector<1x128x1xi32>
      %reduce_min3A_116 = arith.constant dense<2147483647> : vector<1xi32>
      %reduce_min3A_117 = vector.multi_reduction <minsi>, %reduce_min3A, %reduce_min3A_116 [1, 2] : vector<1x128x1xi32> to vector<1xi32>
      %reduce_min3A_118 = vector.shape_cast %reduce_min3A_117 : vector<1xi32> to vector<1x1x1xi32>
      %reduce_min3A_119 = vector.extract %reduce_min3A_118[0, 0, 0] : i32 from vector<1x1x1xi32>
      %gt3A_120 = arith.constant 0.000000e+00 : f32
      %gt3A_121 = vector.broadcast %gt3A_120 : f32 to vector<128x1xf32>
      %gt3A_122 = arith.cmpf ogt, %broadcast_in_dim3A, %gt3A_121 : vector<128x1xf32>
      %jit3A_123 = arith.constant -1 : i32
      %broadcast_in_dim3A_124 = vector.broadcast %jit3A_123 : i32 to vector<128x1xi32>
      %select_n3A_125 = arith.select %gt3A_122, %iota3A, %broadcast_in_dim3A_124 : vector<128x1xi1>, vector<128x1xi32>
      %reduce_max3A = vector.shape_cast %select_n3A_125 : vector<128x1xi32> to vector<1x128x1xi32>
      %reduce_max3A_126 = arith.constant dense<-2147483648> : vector<1xi32>
      %reduce_max3A_127 = vector.multi_reduction <maxsi>, %reduce_max3A, %reduce_max3A_126 [1, 2] : vector<1x128x1xi32> to vector<1xi32>
      %reduce_max3A_128 = vector.shape_cast %reduce_max3A_127 : vector<1xi32> to vector<1x1x1xi32>
      %reduce_max3A_129 = vector.extract %reduce_max3A_128[0, 0, 0] : i32 from vector<1x1x1xi32>
      %get3A_130 = arith.constant 0 : index
      %get3A_131 = arith.constant 0 : index
      %get3A_132 = vector.load %arg12[%get3A_130, %get3A_131] : memref<20x1xf32, #tpu.memory_space<vmem>>, vector<20x1xf32>
      %get3A_133 = arith.constant 0 : index
      %get3A_134 = arith.constant 0 : index
      %get3A_135 = vector.load %arg10[%get3A_133, %get3A_134] : memref<256x20xf32, #tpu.memory_space<vmem>>, vector<256x20xf32>
      %get3A_136 = arith.constant 0 : index
      %get3A_137 = arith.constant 0 : index
      %get3A_138 = vector.load %arg11[%get3A_136, %get3A_137] : memref<256x1xf32, #tpu.memory_space<vmem>>, vector<256x1xf32>
      %add3A_139 = arith.constant 1 : i32
      %add3A_140 = arith.addi %reduce_max3A_129, %add3A_139 : i32
      %while3A = arith.constant 0 : i32
      %while3A_141 = arith.subi %add3A_140, %reduce_min3A_119 : i32
      %while3A_142 = arith.addi %reduce_min3A_119, %while3A_141 : i32
      %while3A_143 = arith.constant 1 : i32
      %while3A_144 = arith.divsi %while3A_141, %while3A_143 : i32
      %while3A_145 = arith.muli %while3A_144, %while3A_143 : i32
      %while3A_146 = arith.addi %reduce_min3A_119, %while3A_145 : i32
      %while3A_147 = arith.constant 1 : i32
      scf.for %while3A_149 = %reduce_min3A_119 to %while3A_146 step %while3A_147  : i32 {
        %add3A_150 = arith.constant 0 : i32
        %add3A_151 = arith.addi %add3A_150, %while3A_149 : i32
        %get3A_152 = arith.index_cast %add3A_151 : i32 to index
        %get3A_153 = arith.constant 0 : index
        %get3A_154 = vector.load %arg15[%get3A_152, %get3A_153] : memref<768x128xf32, #tpu.memory_space<vmem>>, vector<1x128xf32>
        %add3A_155 = arith.constant 128 : i32
        %add3A_156 = arith.addi %add3A_155, %while3A_149 : i32
        %get3A_157 = arith.index_cast %add3A_156 : i32 to index
        %get3A_158 = arith.constant 0 : index
        %get3A_159 = vector.load %arg15[%get3A_157, %get3A_158] : memref<768x128xf32, #tpu.memory_space<vmem>>, vector<1x128xf32>
        %mul3A_160 = vector.broadcast %get3A_132 : vector<20x1xf32> to vector<20x128xf32>
        %mul3A_161 = vector.broadcast %get3A_154 : vector<1x128xf32> to vector<20x128xf32>
        %mul3A_162 = arith.mulf %mul3A_160, %mul3A_161 : vector<20x128xf32>
        %mul3A_163 = arith.constant 0.159154937 : f32
        %mul3A_164 = vector.broadcast %mul3A_163 : f32 to vector<20x128xf32>
        %mul3A_165 = arith.mulf %mul3A_162, %mul3A_164 : vector<20x128xf32>
        %add3A_166 = arith.constant 5.000000e-01 : f32
        %add3A_167 = vector.broadcast %add3A_166 : f32 to vector<20x128xf32>
        %add3A_168 = arith.addf %mul3A_165, %add3A_167 : vector<20x128xf32>
        %floor3A = math.floor %add3A_168 : vector<20x128xf32>
        %mul3A_169 = arith.constant 6.281250e+00 : f32
        %mul3A_170 = vector.broadcast %mul3A_169 : f32 to vector<20x128xf32>
        %mul3A_171 = arith.mulf %floor3A, %mul3A_170 : vector<20x128xf32>
        %sub3A_172 = arith.subf %mul3A_162, %mul3A_171 : vector<20x128xf32>
        %mul3A_173 = arith.constant 0.00193530717 : f32
        %mul3A_174 = vector.broadcast %mul3A_173 : f32 to vector<20x128xf32>
        %mul3A_175 = arith.mulf %floor3A, %mul3A_174 : vector<20x128xf32>
        %sub3A_176 = arith.subf %sub3A_172, %mul3A_175 : vector<20x128xf32>
        %mul3A_177 = arith.mulf %sub3A_176, %sub3A_176 : vector<20x128xf32>
        %mul3A_178 = arith.constant -2.05342658E-8 : f32
        %mul3A_179 = vector.broadcast %mul3A_178 : f32 to vector<20x128xf32>
        %mul3A_180 = arith.mulf %mul3A_179, %mul3A_177 : vector<20x128xf32>
        %add3A_181 = arith.constant 2.70405167E-6 : f32
        %add3A_182 = vector.broadcast %add3A_181 : f32 to vector<20x128xf32>
        %add3A_183 = arith.addf %mul3A_180, %add3A_182 : vector<20x128xf32>
        %mul3A_184 = arith.mulf %add3A_183, %mul3A_177 : vector<20x128xf32>
        %add3A_185 = arith.constant -1.98125766E-4 : f32
        %add3A_186 = vector.broadcast %add3A_185 : f32 to vector<20x128xf32>
        %add3A_187 = arith.addf %mul3A_184, %add3A_186 : vector<20x128xf32>
        %mul3A_188 = arith.mulf %add3A_187, %mul3A_177 : vector<20x128xf32>
        %add3A_189 = arith.constant 0.00833255798 : f32
        %add3A_190 = vector.broadcast %add3A_189 : f32 to vector<20x128xf32>
        %add3A_191 = arith.addf %mul3A_188, %add3A_190 : vector<20x128xf32>
        %mul3A_192 = arith.mulf %add3A_191, %mul3A_177 : vector<20x128xf32>
        %add3A_193 = arith.constant -0.166665778 : f32
        %add3A_194 = vector.broadcast %add3A_193 : f32 to vector<20x128xf32>
        %add3A_195 = arith.addf %mul3A_192, %add3A_194 : vector<20x128xf32>
        %mul3A_196 = arith.mulf %add3A_195, %mul3A_177 : vector<20x128xf32>
        %add3A_197 = arith.constant 0.999999701 : f32
        %add3A_198 = vector.broadcast %add3A_197 : f32 to vector<20x128xf32>
        %add3A_199 = arith.addf %mul3A_196, %add3A_198 : vector<20x128xf32>
        %mul3A_200 = arith.mulf %sub3A_176, %add3A_199 : vector<20x128xf32>
        %mul3A_201 = vector.broadcast %get3A_159 : vector<1x128xf32> to vector<20x128xf32>
        %mul3A_202 = arith.mulf %mul3A_200, %mul3A_201 : vector<20x128xf32>
        %dot_general3A = arith.constant dense<0.000000e+00> : vector<256x128xf32>
        %dot_general3A_203 = tpu.matmul %get3A_135, %mul3A_202, %dot_general3A {dimension_numbers = #tpu.dot_dimension_numbers<[1], [0], [0], [1], [0, 0, 1, 1], [], []>, transpose_lhs_hint = false} : vector<256x20xf32>, vector<20x128xf32>, vector<256x128xf32> -> vector<256x128xf32>
        %add3A_204 = vector.broadcast %get3A_138 : vector<256x1xf32> to vector<256x128xf32>
        %add3A_205 = arith.addf %dot_general3A_203, %add3A_204 : vector<256x128xf32>
        %mul3A_206 = arith.constant 0.628318548 : f32
        %mul3A_207 = vector.broadcast %mul3A_206 : f32 to vector<256x128xf32>
        %mul3A_208 = arith.mulf %mul3A_207, %add3A_205 : vector<256x128xf32>
        %jit3A_209 = arith.constant -3.14159274 : f32
        %jit3A_210 = arith.constant 3.14159274 : f32
        %max3A_211 = vector.broadcast %jit3A_209 : f32 to vector<256x128xf32>
        %max3A_212 = arith.maximumf %max3A_211, %mul3A_208 : vector<256x128xf32>
        %min3A = vector.broadcast %jit3A_210 : f32 to vector<256x128xf32>
        %min3A_213 = arith.minimumf %min3A, %max3A_212 : vector<256x128xf32>
        %mul3A_214 = arith.mulf %min3A_213, %min3A_213 : vector<256x128xf32>
        %mul3A_215 = arith.constant 1.73691339E-9 : f32
        %mul3A_216 = vector.broadcast %mul3A_215 : f32 to vector<256x128xf32>
        %mul3A_217 = arith.mulf %mul3A_216, %mul3A_214 : vector<256x128xf32>
        %add3A_218 = arith.constant -2.71133729E-7 : f32
        %add3A_219 = vector.broadcast %add3A_218 : f32 to vector<256x128xf32>
        %add3A_220 = arith.addf %mul3A_217, %add3A_219 : vector<256x128xf32>
        %mul3A_221 = arith.mulf %add3A_220, %mul3A_214 : vector<256x128xf32>
        %add3A_222 = arith.constant 2.47734242E-5 : f32
        %add3A_223 = vector.broadcast %add3A_222 : f32 to vector<256x128xf32>
        %add3A_224 = arith.addf %mul3A_221, %add3A_223 : vector<256x128xf32>
        %mul3A_225 = arith.mulf %add3A_224, %mul3A_214 : vector<256x128xf32>
        %add3A_226 = arith.constant -0.00138879707 : f32
        %add3A_227 = vector.broadcast %add3A_226 : f32 to vector<256x128xf32>
        %add3A_228 = arith.addf %mul3A_225, %add3A_227 : vector<256x128xf32>
        %mul3A_229 = arith.mulf %add3A_228, %mul3A_214 : vector<256x128xf32>
        %add3A_230 = arith.constant 0.0416665226 : f32
        %add3A_231 = vector.broadcast %add3A_230 : f32 to vector<256x128xf32>
        %add3A_232 = arith.addf %mul3A_229, %add3A_231 : vector<256x128xf32>
        %mul3A_233 = arith.mulf %add3A_232, %mul3A_214 : vector<256x128xf32>
        %add3A_234 = arith.constant -0.499999911 : f32
        %add3A_235 = vector.broadcast %add3A_234 : f32 to vector<256x128xf32>
        %add3A_236 = arith.addf %mul3A_233, %add3A_235 : vector<256x128xf32>
        %mul3A_237 = arith.mulf %add3A_236, %mul3A_214 : vector<256x128xf32>
        %add3A_238 = arith.constant 1.000000e+00 : f32
        %add3A_239 = vector.broadcast %add3A_238 : f32 to vector<256x128xf32>
        %add3A_240 = arith.addf %mul3A_237, %add3A_239 : vector<256x128xf32>
        %add3A_241 = arith.constant 1.000000e+00 : f32
        %add3A_242 = vector.broadcast %add3A_241 : f32 to vector<256x128xf32>
        %add3A_243 = arith.addf %add3A_240, %add3A_242 : vector<256x128xf32>
        %mul3A_244 = arith.constant 5.000000e-01 : f32
        %mul3A_245 = vector.broadcast %mul3A_244 : f32 to vector<256x128xf32>
        %mul3A_246 = arith.mulf %mul3A_245, %add3A_243 : vector<256x128xf32>
        %lt3A_247 = arith.constant 5.000000e+00 : f32
        %lt3A_248 = vector.broadcast %lt3A_247 : f32 to vector<256x128xf32>
        %lt3A_249 = arith.cmpf olt, %add3A_205, %lt3A_248 : vector<256x128xf32>
        %convert_element_type3A_250 = arith.extui %lt3A_249 : vector<256x128xi1> to vector<256x128xi32>
        %convert_element_type3A_251 = arith.sitofp %convert_element_type3A_250 : vector<256x128xi32> to vector<256x128xf32>
        %mul3A_252 = arith.mulf %mul3A_246, %convert_element_type3A_251 : vector<256x128xf32>
        %slice3A_253 = vector.extract_strided_slice %mul3A_252 {offsets = [0, 0], sizes = [128, 128], strides = [1, 1]} : vector<256x128xf32> to vector<128x128xf32>
        %slice3A_254 = vector.extract_strided_slice %mul3A_252 {offsets = [128, 0], sizes = [128, 128], strides = [1, 1]} : vector<256x128xf32> to vector<128x128xf32>
        %get3A_255 = arith.constant 0 : index
        %get3A_256 = arith.constant 0 : index
        %get3A_257 = vector.load %arg14[%get3A_255, %get3A_256] : memref<512x128xf32, #tpu.memory_space<vmem>>, vector<128x128xf32>
        %add3A_258 = arith.constant 256 : i32
        %add3A_259 = arith.addi %add3A_258, %while3A_149 : i32
        %get3A_260 = arith.index_cast %add3A_259 : i32 to index
        %get3A_261 = arith.constant 0 : index
        %get3A_262 = vector.load %arg15[%get3A_260, %get3A_261] : memref<768x128xf32, #tpu.memory_space<vmem>>, vector<1x128xf32>
        %mul3A_263 = vector.broadcast %get3A_262 : vector<1x128xf32> to vector<128x128xf32>
        %mul3A_264 = arith.mulf %slice3A_253, %mul3A_263 : vector<128x128xf32>
        %add3A_265 = arith.addf %get3A_257, %mul3A_264 : vector<128x128xf32>
        %swap3A_266 = arith.constant 0 : index
        %swap3A_267 = arith.constant 0 : index
        %swap3A_268 = vector.load %arg14[%swap3A_266, %swap3A_267] : memref<512x128xf32, #tpu.memory_space<vmem>>, vector<128x128xf32>
        tpu.vector_store %arg14[%swap3A_266, %swap3A_267], %add3A_265 {strides = array<i32>} : memref<512x128xf32, #tpu.memory_space<vmem>>, vector<128x128xf32>,
        %get3A_269 = arith.constant 128 : index
        %get3A_270 = arith.constant 0 : index
        %get3A_271 = vector.load %arg14[%get3A_269, %get3A_270] : memref<512x128xf32, #tpu.memory_space<vmem>>, vector<128x128xf32>
        %add3A_272 = arith.constant 384 : i32
        %add3A_273 = arith.addi %add3A_272, %while3A_149 : i32
        %get3A_274 = arith.index_cast %add3A_273 : i32 to index
        %get3A_275 = arith.constant 0 : index
        %get3A_276 = vector.load %arg15[%get3A_274, %get3A_275] : memref<768x128xf32, #tpu.memory_space<vmem>>, vector<1x128xf32>
        %mul3A_277 = vector.broadcast %get3A_276 : vector<1x128xf32> to vector<128x128xf32>
        %mul3A_278 = arith.mulf %slice3A_254, %mul3A_277 : vector<128x128xf32>
        %add3A_279 = arith.addf %get3A_271, %mul3A_278 : vector<128x128xf32>
        %swap3A_280 = arith.constant 128 : index
        %swap3A_281 = arith.constant 0 : index
        %swap3A_282 = vector.load %arg14[%swap3A_280, %swap3A_281] : memref<512x128xf32, #tpu.memory_space<vmem>>, vector<128x128xf32>
        tpu.vector_store %arg14[%swap3A_280, %swap3A_281], %add3A_279 {strides = array<i32>} : memref<512x128xf32, #tpu.memory_space<vmem>>, vector<128x128xf32>,
        %get3A_283 = arith.constant 256 : index
        %get3A_284 = arith.constant 0 : index
        %get3A_285 = vector.load %arg14[%get3A_283, %get3A_284] : memref<512x128xf32, #tpu.memory_space<vmem>>, vector<128x128xf32>
        %add3A_286 = arith.constant 512 : i32
        %add3A_287 = arith.addi %add3A_286, %while3A_149 : i32
        %get3A_288 = arith.index_cast %add3A_287 : i32 to index
        %get3A_289 = arith.constant 0 : index
        %get3A_290 = vector.load %arg15[%get3A_288, %get3A_289] : memref<768x128xf32, #tpu.memory_space<vmem>>, vector<1x128xf32>
        %mul3A_291 = vector.broadcast %get3A_290 : vector<1x128xf32> to vector<128x128xf32>
        %mul3A_292 = arith.mulf %slice3A_254, %mul3A_291 : vector<128x128xf32>
        %add3A_293 = arith.addf %get3A_285, %mul3A_292 : vector<128x128xf32>
        %swap3A_294 = arith.constant 256 : index
        %swap3A_295 = arith.constant 0 : index
        %swap3A_296 = vector.load %arg14[%swap3A_294, %swap3A_295] : memref<512x128xf32, #tpu.memory_space<vmem>>, vector<128x128xf32>
        tpu.vector_store %arg14[%swap3A_294, %swap3A_295], %add3A_293 {strides = array<i32>} : memref<512x128xf32, #tpu.memory_space<vmem>>, vector<128x128xf32>,
        %get3A_297 = arith.constant 384 : index
        %get3A_298 = arith.constant 0 : index
        %get3A_299 = vector.load %arg14[%get3A_297, %get3A_298] : memref<512x128xf32, #tpu.memory_space<vmem>>, vector<128x128xf32>
        %add3A_300 = arith.constant 640 : i32
        %add3A_301 = arith.addi %add3A_300, %while3A_149 : i32
        %get3A_302 = arith.index_cast %add3A_301 : i32 to index
        %get3A_303 = arith.constant 0 : index
        %get3A_304 = vector.load %arg15[%get3A_302, %get3A_303] : memref<768x128xf32, #tpu.memory_space<vmem>>, vector<1x128xf32>
        %mul3A_305 = vector.broadcast %get3A_304 : vector<1x128xf32> to vector<128x128xf32>
        %mul3A_306 = arith.mulf %slice3A_254, %mul3A_305 : vector<128x128xf32>
        %add3A_307 = arith.addf %get3A_299, %mul3A_306 : vector<128x128xf32>
        %swap3A_308 = arith.constant 384 : index
        %swap3A_309 = arith.constant 0 : index
        %swap3A_310 = vector.load %arg14[%swap3A_308, %swap3A_309] : memref<512x128xf32, #tpu.memory_space<vmem>>, vector<128x128xf32>
        tpu.vector_store %arg14[%swap3A_308, %swap3A_309], %add3A_307 {strides = array<i32>} : memref<512x128xf32, #tpu.memory_space<vmem>>, vector<128x128xf32>,
      }
      %while3A_148 = arith.constant 1 : i32
      scf.for %while3A_149 = %while3A_146 to %while3A_142 step %while3A_148  : i32 {
        %add3A_150 = arith.constant 0 : i32
        %add3A_151 = arith.addi %add3A_150, %while3A_149 : i32
        %get3A_152 = arith.index_cast %add3A_151 : i32 to index
        %get3A_153 = arith.constant 0 : index
        %get3A_154 = vector.load %arg15[%get3A_152, %get3A_153] : memref<768x128xf32, #tpu.memory_space<vmem>>, vector<1x128xf32>
        %add3A_155 = arith.constant 128 : i32
        %add3A_156 = arith.addi %add3A_155, %while3A_149 : i32
        %get3A_157 = arith.index_cast %add3A_156 : i32 to index
        %get3A_158 = arith.constant 0 : index
        %get3A_159 = vector.load %arg15[%get3A_157, %get3A_158] : memref<768x128xf32, #tpu.memory_space<vmem>>, vector<1x128xf32>
        %mul3A_160 = vector.broadcast %get3A_132 : vector<20x1xf32> to vector<20x128xf32>
        %mul3A_161 = vector.broadcast %get3A_154 : vector<1x128xf32> to vector<20x128xf32>
        %mul3A_162 = arith.mulf %mul3A_160, %mul3A_161 : vector<20x128xf32>
        %mul3A_163 = arith.constant 0.159154937 : f32
        %mul3A_164 = vector.broadcast %mul3A_163 : f32 to vector<20x128xf32>
        %mul3A_165 = arith.mulf %mul3A_162, %mul3A_164 : vector<20x128xf32>
        %add3A_166 = arith.constant 5.000000e-01 : f32
        %add3A_167 = vector.broadcast %add3A_166 : f32 to vector<20x128xf32>
        %add3A_168 = arith.addf %mul3A_165, %add3A_167 : vector<20x128xf32>
        %floor3A = math.floor %add3A_168 : vector<20x128xf32>
        %mul3A_169 = arith.constant 6.281250e+00 : f32
        %mul3A_170 = vector.broadcast %mul3A_169 : f32 to vector<20x128xf32>
        %mul3A_171 = arith.mulf %floor3A, %mul3A_170 : vector<20x128xf32>
        %sub3A_172 = arith.subf %mul3A_162, %mul3A_171 : vector<20x128xf32>
        %mul3A_173 = arith.constant 0.00193530717 : f32
        %mul3A_174 = vector.broadcast %mul3A_173 : f32 to vector<20x128xf32>
        %mul3A_175 = arith.mulf %floor3A, %mul3A_174 : vector<20x128xf32>
        %sub3A_176 = arith.subf %sub3A_172, %mul3A_175 : vector<20x128xf32>
        %mul3A_177 = arith.mulf %sub3A_176, %sub3A_176 : vector<20x128xf32>
        %mul3A_178 = arith.constant -2.05342658E-8 : f32
        %mul3A_179 = vector.broadcast %mul3A_178 : f32 to vector<20x128xf32>
        %mul3A_180 = arith.mulf %mul3A_179, %mul3A_177 : vector<20x128xf32>
        %add3A_181 = arith.constant 2.70405167E-6 : f32
        %add3A_182 = vector.broadcast %add3A_181 : f32 to vector<20x128xf32>
        %add3A_183 = arith.addf %mul3A_180, %add3A_182 : vector<20x128xf32>
        %mul3A_184 = arith.mulf %add3A_183, %mul3A_177 : vector<20x128xf32>
        %add3A_185 = arith.constant -1.98125766E-4 : f32
        %add3A_186 = vector.broadcast %add3A_185 : f32 to vector<20x128xf32>
        %add3A_187 = arith.addf %mul3A_184, %add3A_186 : vector<20x128xf32>
        %mul3A_188 = arith.mulf %add3A_187, %mul3A_177 : vector<20x128xf32>
        %add3A_189 = arith.constant 0.00833255798 : f32
        %add3A_190 = vector.broadcast %add3A_189 : f32 to vector<20x128xf32>
        %add3A_191 = arith.addf %mul3A_188, %add3A_190 : vector<20x128xf32>
        %mul3A_192 = arith.mulf %add3A_191, %mul3A_177 : vector<20x128xf32>
        %add3A_193 = arith.constant -0.166665778 : f32
        %add3A_194 = vector.broadcast %add3A_193 : f32 to vector<20x128xf32>
        %add3A_195 = arith.addf %mul3A_192, %add3A_194 : vector<20x128xf32>
        %mul3A_196 = arith.mulf %add3A_195, %mul3A_177 : vector<20x128xf32>
        %add3A_197 = arith.constant 0.999999701 : f32
        %add3A_198 = vector.broadcast %add3A_197 : f32 to vector<20x128xf32>
        %add3A_199 = arith.addf %mul3A_196, %add3A_198 : vector<20x128xf32>
        %mul3A_200 = arith.mulf %sub3A_176, %add3A_199 : vector<20x128xf32>
        %mul3A_201 = vector.broadcast %get3A_159 : vector<1x128xf32> to vector<20x128xf32>
        %mul3A_202 = arith.mulf %mul3A_200, %mul3A_201 : vector<20x128xf32>
        %dot_general3A = arith.constant dense<0.000000e+00> : vector<256x128xf32>
        %dot_general3A_203 = tpu.matmul %get3A_135, %mul3A_202, %dot_general3A {dimension_numbers = #tpu.dot_dimension_numbers<[1], [0], [0], [1], [0, 0, 1, 1], [], []>, transpose_lhs_hint = false} : vector<256x20xf32>, vector<20x128xf32>, vector<256x128xf32> -> vector<256x128xf32>
        %add3A_204 = vector.broadcast %get3A_138 : vector<256x1xf32> to vector<256x128xf32>
        %add3A_205 = arith.addf %dot_general3A_203, %add3A_204 : vector<256x128xf32>
        %mul3A_206 = arith.constant 0.628318548 : f32
        %mul3A_207 = vector.broadcast %mul3A_206 : f32 to vector<256x128xf32>
        %mul3A_208 = arith.mulf %mul3A_207, %add3A_205 : vector<256x128xf32>
        %jit3A_209 = arith.constant -3.14159274 : f32
        %jit3A_210 = arith.constant 3.14159274 : f32
        %max3A_211 = vector.broadcast %jit3A_209 : f32 to vector<256x128xf32>
        %max3A_212 = arith.maximumf %max3A_211, %mul3A_208 : vector<256x128xf32>
        %min3A = vector.broadcast %jit3A_210 : f32 to vector<256x128xf32>
        %min3A_213 = arith.minimumf %min3A, %max3A_212 : vector<256x128xf32>
        %mul3A_214 = arith.mulf %min3A_213, %min3A_213 : vector<256x128xf32>
        %mul3A_215 = arith.constant 1.73691339E-9 : f32
        %mul3A_216 = vector.broadcast %mul3A_215 : f32 to vector<256x128xf32>
        %mul3A_217 = arith.mulf %mul3A_216, %mul3A_214 : vector<256x128xf32>
        %add3A_218 = arith.constant -2.71133729E-7 : f32
        %add3A_219 = vector.broadcast %add3A_218 : f32 to vector<256x128xf32>
        %add3A_220 = arith.addf %mul3A_217, %add3A_219 : vector<256x128xf32>
        %mul3A_221 = arith.mulf %add3A_220, %mul3A_214 : vector<256x128xf32>
        %add3A_222 = arith.constant 2.47734242E-5 : f32
        %add3A_223 = vector.broadcast %add3A_222 : f32 to vector<256x128xf32>
        %add3A_224 = arith.addf %mul3A_221, %add3A_223 : vector<256x128xf32>
        %mul3A_225 = arith.mulf %add3A_224, %mul3A_214 : vector<256x128xf32>
        %add3A_226 = arith.constant -0.00138879707 : f32
        %add3A_227 = vector.broadcast %add3A_226 : f32 to vector<256x128xf32>
        %add3A_228 = arith.addf %mul3A_225, %add3A_227 : vector<256x128xf32>
        %mul3A_229 = arith.mulf %add3A_228, %mul3A_214 : vector<256x128xf32>
        %add3A_230 = arith.constant 0.0416665226 : f32
        %add3A_231 = vector.broadcast %add3A_230 : f32 to vector<256x128xf32>
        %add3A_232 = arith.addf %mul3A_229, %add3A_231 : vector<256x128xf32>
        %mul3A_233 = arith.mulf %add3A_232, %mul3A_214 : vector<256x128xf32>
        %add3A_234 = arith.constant -0.499999911 : f32
        %add3A_235 = vector.broadcast %add3A_234 : f32 to vector<256x128xf32>
        %add3A_236 = arith.addf %mul3A_233, %add3A_235 : vector<256x128xf32>
        %mul3A_237 = arith.mulf %add3A_236, %mul3A_214 : vector<256x128xf32>
        %add3A_238 = arith.constant 1.000000e+00 : f32
        %add3A_239 = vector.broadcast %add3A_238 : f32 to vector<256x128xf32>
        %add3A_240 = arith.addf %mul3A_237, %add3A_239 : vector<256x128xf32>
        %add3A_241 = arith.constant 1.000000e+00 : f32
        %add3A_242 = vector.broadcast %add3A_241 : f32 to vector<256x128xf32>
        %add3A_243 = arith.addf %add3A_240, %add3A_242 : vector<256x128xf32>
        %mul3A_244 = arith.constant 5.000000e-01 : f32
        %mul3A_245 = vector.broadcast %mul3A_244 : f32 to vector<256x128xf32>
        %mul3A_246 = arith.mulf %mul3A_245, %add3A_243 : vector<256x128xf32>
        %lt3A_247 = arith.constant 5.000000e+00 : f32
        %lt3A_248 = vector.broadcast %lt3A_247 : f32 to vector<256x128xf32>
        %lt3A_249 = arith.cmpf olt, %add3A_205, %lt3A_248 : vector<256x128xf32>
        %convert_element_type3A_250 = arith.extui %lt3A_249 : vector<256x128xi1> to vector<256x128xi32>
        %convert_element_type3A_251 = arith.sitofp %convert_element_type3A_250 : vector<256x128xi32> to vector<256x128xf32>
        %mul3A_252 = arith.mulf %mul3A_246, %convert_element_type3A_251 : vector<256x128xf32>
        %slice3A_253 = vector.extract_strided_slice %mul3A_252 {offsets = [0, 0], sizes = [128, 128], strides = [1, 1]} : vector<256x128xf32> to vector<128x128xf32>
        %slice3A_254 = vector.extract_strided_slice %mul3A_252 {offsets = [128, 0], sizes = [128, 128], strides = [1, 1]} : vector<256x128xf32> to vector<128x128xf32>
        %get3A_255 = arith.constant 0 : index
        %get3A_256 = arith.constant 0 : index
        %get3A_257 = vector.load %arg14[%get3A_255, %get3A_256] : memref<512x128xf32, #tpu.memory_space<vmem>>, vector<128x128xf32>
        %add3A_258 = arith.constant 256 : i32
        %add3A_259 = arith.addi %add3A_258, %while3A_149 : i32
        %get3A_260 = arith.index_cast %add3A_259 : i32 to index
        %get3A_261 = arith.constant 0 : index
        %get3A_262 = vector.load %arg15[%get3A_260, %get3A_261] : memref<768x128xf32, #tpu.memory_space<vmem>>, vector<1x128xf32>
        %mul3A_263 = vector.broadcast %get3A_262 : vector<1x128xf32> to vector<128x128xf32>
        %mul3A_264 = arith.mulf %slice3A_253, %mul3A_263 : vector<128x128xf32>
        %add3A_265 = arith.addf %get3A_257, %mul3A_264 : vector<128x128xf32>
        %swap3A_266 = arith.constant 0 : index
        %swap3A_267 = arith.constant 0 : index
        %swap3A_268 = vector.load %arg14[%swap3A_266, %swap3A_267] : memref<512x128xf32, #tpu.memory_space<vmem>>, vector<128x128xf32>
        tpu.vector_store %arg14[%swap3A_266, %swap3A_267], %add3A_265 {strides = array<i32>} : memref<512x128xf32, #tpu.memory_space<vmem>>, vector<128x128xf32>,
        %get3A_269 = arith.constant 128 : index
        %get3A_270 = arith.constant 0 : index
        %get3A_271 = vector.load %arg14[%get3A_269, %get3A_270] : memref<512x128xf32, #tpu.memory_space<vmem>>, vector<128x128xf32>
        %add3A_272 = arith.constant 384 : i32
        %add3A_273 = arith.addi %add3A_272, %while3A_149 : i32
        %get3A_274 = arith.index_cast %add3A_273 : i32 to index
        %get3A_275 = arith.constant 0 : index
        %get3A_276 = vector.load %arg15[%get3A_274, %get3A_275] : memref<768x128xf32, #tpu.memory_space<vmem>>, vector<1x128xf32>
        %mul3A_277 = vector.broadcast %get3A_276 : vector<1x128xf32> to vector<128x128xf32>
        %mul3A_278 = arith.mulf %slice3A_254, %mul3A_277 : vector<128x128xf32>
        %add3A_279 = arith.addf %get3A_271, %mul3A_278 : vector<128x128xf32>
        %swap3A_280 = arith.constant 128 : index
        %swap3A_281 = arith.constant 0 : index
        %swap3A_282 = vector.load %arg14[%swap3A_280, %swap3A_281] : memref<512x128xf32, #tpu.memory_space<vmem>>, vector<128x128xf32>
        tpu.vector_store %arg14[%swap3A_280, %swap3A_281], %add3A_279 {strides = array<i32>} : memref<512x128xf32, #tpu.memory_space<vmem>>, vector<128x128xf32>,
        %get3A_283 = arith.constant 256 : index
        %get3A_284 = arith.constant 0 : index
        %get3A_285 = vector.load %arg14[%get3A_283, %get3A_284] : memref<512x128xf32, #tpu.memory_space<vmem>>, vector<128x128xf32>
        %add3A_286 = arith.constant 512 : i32
        %add3A_287 = arith.addi %add3A_286, %while3A_149 : i32
        %get3A_288 = arith.index_cast %add3A_287 : i32 to index
        %get3A_289 = arith.constant 0 : index
        %get3A_290 = vector.load %arg15[%get3A_288, %get3A_289] : memref<768x128xf32, #tpu.memory_space<vmem>>, vector<1x128xf32>
        %mul3A_291 = vector.broadcast %get3A_290 : vector<1x128xf32> to vector<128x128xf32>
        %mul3A_292 = arith.mulf %slice3A_254, %mul3A_291 : vector<128x128xf32>
        %add3A_293 = arith.addf %get3A_285, %mul3A_292 : vector<128x128xf32>
        %swap3A_294 = arith.constant 256 : index
        %swap3A_295 = arith.constant 0 : index
        %swap3A_296 = vector.load %arg14[%swap3A_294, %swap3A_295] : memref<512x128xf32, #tpu.memory_space<vmem>>, vector<128x128xf32>
        tpu.vector_store %arg14[%swap3A_294, %swap3A_295], %add3A_293 {strides = array<i32>} : memref<512x128xf32, #tpu.memory_space<vmem>>, vector<128x128xf32>,
        %get3A_297 = arith.constant 384 : index
        %get3A_298 = arith.constant 0 : index
        %get3A_299 = vector.load %arg14[%get3A_297, %get3A_298] : memref<512x128xf32, #tpu.memory_space<vmem>>, vector<128x128xf32>
        %add3A_300 = arith.constant 640 : i32
        %add3A_301 = arith.addi %add3A_300, %while3A_149 : i32
        %get3A_302 = arith.index_cast %add3A_301 : i32 to index
        %get3A_303 = arith.constant 0 : index
        %get3A_304 = vector.load %arg15[%get3A_302, %get3A_303] : memref<768x128xf32, #tpu.memory_space<vmem>>, vector<1x128xf32>
        %mul3A_305 = vector.broadcast %get3A_304 : vector<1x128xf32> to vector<128x128xf32>
        %mul3A_306 = arith.mulf %slice3A_254, %mul3A_305 : vector<128x128xf32>
        %add3A_307 = arith.addf %get3A_299, %mul3A_306 : vector<128x128xf32>
        %swap3A_308 = arith.constant 384 : index
        %swap3A_309 = arith.constant 0 : index
        %swap3A_310 = vector.load %arg14[%swap3A_308, %swap3A_309] : memref<512x128xf32, #tpu.memory_space<vmem>>, vector<128x128xf32>
        tpu.vector_store %arg14[%swap3A_308, %swap3A_309], %add3A_307 {strides = array<i32>} : memref<512x128xf32, #tpu.memory_space<vmem>>, vector<128x128xf32>,
      }
    } else {
    }
    %get3A_10 = arith.index_cast %arg0 : i32 to index
    %get3A_11 = memref.load %arg4[%get3A_10] : memref<6241xi32, #tpu.memory_space<smem>>
    %eq3A_12 = arith.constant 1 : i32
    %eq3A_13 = arith.cmpi eq, %get3A_11, %eq3A_12 : i32
    %convert_element_type3A_14 = arith.extui %eq3A_13 : i1 to i32
    %cond3A_15 = arith.constant 0 : i32
    %cond3A_16 = arith.cmpi ne, %convert_element_type3A_14, %cond3A_15 : i32
    scf.if %cond3A_16 {
      %get3A_17 = arith.constant 0 : index
      %get3A_18 = arith.constant 0 : index
      %get3A_19 = vector.load %arg14[%get3A_17, %get3A_18] : memref<512x128xf32, #tpu.memory_space<vmem>>, vector<512x128xf32>
      %swap3A = arith.constant 0 : index
      %swap3A_20 = arith.constant 0 : index
      %swap3A_21 = vector.load %arg13[%swap3A, %swap3A_20] : memref<512x128xf32, #tpu.memory_space<vmem>>, vector<512x128xf32>
      tpu.vector_store %arg13[%swap3A, %swap3A_20], %get3A_19 {strides = array<i32>} : memref<512x128xf32, #tpu.memory_space<vmem>>, vector<512x128xf32>,
    } else {
    }
    return
  }
  func.func @transform_0(%arg0: i32, %arg1: memref<6241xi32, #tpu.memory_space<smem>>, %arg2: memref<6241xi32, #tpu.memory_space<smem>>, %arg3: memref<6241xi32, #tpu.memory_space<smem>>, %arg4: memref<6241xi32, #tpu.memory_space<smem>>, %arg5: memref<6241xi32, #tpu.memory_space<smem>>) -> (i32, i32) {
    %get3A = arith.index_cast %arg0 : i32 to index
    %get3A_0 = memref.load %arg1[%get3A] : memref<6241xi32, #tpu.memory_space<smem>>
    %c0_i32 = arith.constant 0 : i32
    %c0_i32_1 = arith.constant 0 : i32
    return %get3A_0, %c0_i32 : i32, i32
  }
  func.func @transform_1(%arg0: i32, %arg1: memref<6241xi32, #tpu.memory_space<smem>>, %arg2: memref<6241xi32, #tpu.memory_space<smem>>, %arg3: memref<6241xi32, #tpu.memory_space<smem>>, %arg4: memref<6241xi32, #tpu.memory_space<smem>>, %arg5: memref<6241xi32, #tpu.memory_space<smem>>) -> (i32, i32) {
    %get3A = arith.index_cast %arg0 : i32 to index
    %get3A_0 = memref.load %arg2[%get3A] : memref<6241xi32, #tpu.memory_space<smem>>
    %c0_i32 = arith.constant 0 : i32
    %c0_i32_1 = arith.constant 0 : i32
    return %c0_i32, %get3A_0 : i32, i32
  }
  func.func @transform_2(%arg0: i32, %arg1: memref<6241xi32, #tpu.memory_space<smem>>, %arg2: memref<6241xi32, #tpu.memory_space<smem>>, %arg3: memref<6241xi32, #tpu.memory_space<smem>>, %arg4: memref<6241xi32, #tpu.memory_space<smem>>, %arg5: memref<6241xi32, #tpu.memory_space<smem>>) -> (i32, i32) {
    %get3A = arith.index_cast %arg0 : i32 to index
    %get3A_0 = memref.load %arg1[%get3A] : memref<6241xi32, #tpu.memory_space<smem>>
    %c0_i32 = arith.constant 0 : i32
    %c0_i32_1 = arith.constant 0 : i32
    return %get3A_0, %c0_i32 : i32, i32
  }
  func.func @transform_3(%arg0: i32, %arg1: memref<6241xi32, #tpu.memory_space<smem>>, %arg2: memref<6241xi32, #tpu.memory_space<smem>>, %arg3: memref<6241xi32, #tpu.memory_space<smem>>, %arg4: memref<6241xi32, #tpu.memory_space<smem>>, %arg5: memref<6241xi32, #tpu.memory_space<smem>>) -> (i32, i32) {
    %get3A = arith.index_cast %arg0 : i32 to index
    %get3A_0 = memref.load %arg2[%get3A] : memref<6241xi32, #tpu.memory_space<smem>>
    %c0_i32 = arith.constant 0 : i32
    %c0_i32_1 = arith.constant 0 : i32
    return %c0_i32, %get3A_0 : i32, i32
  }
  func.func @transform_4(%arg0: i32, %arg1: memref<6241xi32, #tpu.memory_space<smem>>, %arg2: memref<6241xi32, #tpu.memory_space<smem>>, %arg3: memref<6241xi32, #tpu.memory_space<smem>>, %arg4: memref<6241xi32, #tpu.memory_space<smem>>, %arg5: memref<6241xi32, #tpu.memory_space<smem>>) -> (i32, i32) {
    %c0_i32 = arith.constant 0 : i32
    %c0_i32_0 = arith.constant 0 : i32
    %c0_i32_1 = arith.constant 0 : i32
    return %c0_i32, %c0_i32_0 : i32, i32
  }
  func.func @transform_5(%arg0: i32, %arg1: memref<6241xi32, #tpu.memory_space<smem>>, %arg2: memref<6241xi32, #tpu.memory_space<smem>>, %arg3: memref<6241xi32, #tpu.memory_space<smem>>, %arg4: memref<6241xi32, #tpu.memory_space<smem>>, %arg5: memref<6241xi32, #tpu.memory_space<smem>>) -> (i32, i32) {
    %c0_i32 = arith.constant 0 : i32
    %c0_i32_0 = arith.constant 0 : i32
    %c0_i32_1 = arith.constant 0 : i32
    return %c0_i32, %c0_i32_0 : i32, i32
  }
  func.func @transform_6(%arg0: i32, %arg1: memref<6241xi32, #tpu.memory_space<smem>>, %arg2: memref<6241xi32, #tpu.memory_space<smem>>, %arg3: memref<6241xi32, #tpu.memory_space<smem>>, %arg4: memref<6241xi32, #tpu.memory_space<smem>>, %arg5: memref<6241xi32, #tpu.memory_space<smem>>) -> (i32, i32) {
    %c0_i32 = arith.constant 0 : i32
    %c0_i32_0 = arith.constant 0 : i32
    %c0_i32_1 = arith.constant 0 : i32
    return %c0_i32, %c0_i32_0 : i32, i32
  }
  func.func @transform_7(%arg0: i32, %arg1: memref<6241xi32, #tpu.memory_space<smem>>, %arg2: memref<6241xi32, #tpu.memory_space<smem>>, %arg3: memref<6241xi32, #tpu.memory_space<smem>>, %arg4: memref<6241xi32, #tpu.memory_space<smem>>, %arg5: memref<6241xi32, #tpu.memory_space<smem>>) -> (i32, i32) {
    %get3A = arith.index_cast %arg0 : i32 to index
    %get3A_0 = memref.load %arg2[%get3A] : memref<6241xi32, #tpu.memory_space<smem>>
    %c0_i32 = arith.constant 0 : i32
    %c0_i32_1 = arith.constant 0 : i32
    return %c0_i32, %get3A_0 : i32, i32
  }
}

module attributes {stable_mosaic.version = 14 : i64} {
  func.func @_packed_body(%arg0: i32, %arg1: memref<2528xi32, #tpu.memory_space<smem>>, %arg2: memref<2528xi32, #tpu.memory_space<smem>>, %arg3: memref<2528xi32, #tpu.memory_space<smem>>, %arg4: memref<2528xi32, #tpu.memory_space<smem>>, %arg5: memref<2528xi32, #tpu.memory_space<smem>>, %arg6: memref<2528xi32, #tpu.memory_space<smem>>, %arg7: memref<3x128xf32, #tpu.memory_space<vmem>>, %arg8: memref<3x128xf32, #tpu.memory_space<vmem>>, %arg9: memref<3x128xf32, #tpu.memory_space<vmem>>, %arg10: memref<1x8x128xi32, #tpu.memory_space<vmem>>, %arg11: memref<256x20xf32, #tpu.memory_space<vmem>>, %arg12: memref<256x1xf32, #tpu.memory_space<vmem>>, %arg13: memref<20x1xf32, #tpu.memory_space<vmem>>, %arg14: memref<512x128xf32, #tpu.memory_space<vmem>>, %arg15: memref<512x128xf32, #tpu.memory_space<vmem>>) attributes {dimension_semantics = [#tpu.dimension_semantics<arbitrary>], iteration_bounds = array<i64: 2528>, scalar_prefetch = 6 : i64, scratch_operands = 1 : i64, tpu.core_type = #tpu.core_type<tc>, window_params = [{transform_indices = @transform_0, window_bounds = array<i64: 3, 128>}, {transform_indices = @transform_1, window_bounds = array<i64: 3, 128>}, {transform_indices = @transform_2, window_bounds = array<i64: 3, 128>}, {transform_indices = @transform_3, window_bounds = array<i64: 1, 8, 128>}, {pipeline_mode = #tpu.pipeline_mode<synchronous>, transform_indices = @transform_4, window_bounds = array<i64: 256, 20>}, {pipeline_mode = #tpu.pipeline_mode<synchronous>, transform_indices = @transform_5, window_bounds = array<i64: 256, 1>}, {pipeline_mode = #tpu.pipeline_mode<synchronous>, transform_indices = @transform_6, window_bounds = array<i64: 20, 1>}, {transform_indices = @transform_7, window_bounds = array<i64: 512, 128>}]} {
    %get3A = arith.index_cast %arg0 : i32 to index
    %get3A_0 = memref.load %arg3[%get3A] : memref<2528xi32, #tpu.memory_space<smem>>
    %eq3A = arith.constant 1 : i32
    %eq3A_1 = arith.cmpi eq, %get3A_0, %eq3A : i32
    %convert_element_type3A = arith.extui %eq3A_1 : i1 to i32
    %cond3A = arith.constant 0 : i32
    %cond3A_2 = arith.cmpi ne, %convert_element_type3A, %cond3A : i32
    scf.if %cond3A_2 {
      %broadcast_in_dim3A = arith.constant 0.000000e+00 : f32
      %broadcast_in_dim3A_17 = vector.broadcast %broadcast_in_dim3A : f32 to vector<512x128xf32>
      %swap3A = arith.constant 0 : index
      %swap3A_18 = arith.constant 0 : index
      %swap3A_19 = vector.load %arg15[%swap3A, %swap3A_18] : memref<512x128xf32, #tpu.memory_space<vmem>>, vector<512x128xf32>
      tpu.vector_store %arg15[%swap3A, %swap3A_18], %broadcast_in_dim3A_17 {strides = array<i32>} : memref<512x128xf32, #tpu.memory_space<vmem>>, vector<512x128xf32>,
    } else {
    }
    %get3A_3 = arith.index_cast %arg0 : i32 to index
    %get3A_4 = memref.load %arg5[%get3A_3] : memref<2528xi32, #tpu.memory_space<smem>>
    %eq3A_5 = arith.constant 1 : i32
    %eq3A_6 = arith.cmpi eq, %get3A_4, %eq3A_5 : i32
    %convert_element_type3A_7 = arith.extui %eq3A_6 : i1 to i32
    %cond3A_8 = arith.constant 0 : i32
    %cond3A_9 = arith.cmpi ne, %convert_element_type3A_7, %cond3A_8 : i32
    scf.if %cond3A_9 {
      %get3A_17 = arith.constant 0 : index
      %get3A_18 = arith.constant 0 : index
      %get3A_19 = arith.constant 0 : index
      %get3A_20 = vector.load %arg10[%get3A_17, %get3A_18, %get3A_19] : memref<1x8x128xi32, #tpu.memory_space<vmem>>, vector<1x8x128xi32>
      %get3A_21 = vector.shape_cast %get3A_20 : vector<1x8x128xi32> to vector<8x128xi32>
      %slice3A = vector.extract_strided_slice %get3A_21 {offsets = [0, 0], sizes = [1, 128], strides = [1, 1]} : vector<8x128xi32> to vector<1x128xi32>
      %slice3A_22 = vector.extract_strided_slice %get3A_21 {offsets = [1, 0], sizes = [1, 128], strides = [1, 1]} : vector<8x128xi32> to vector<1x128xi32>
      %slice3A_23 = vector.extract_strided_slice %get3A_21 {offsets = [2, 0], sizes = [1, 128], strides = [1, 1]} : vector<8x128xi32> to vector<1x128xi32>
      %convert_element_type3A_24 = arith.sitofp %slice3A_23 : vector<1x128xi32> to vector<1x128xf32>
      %iota3A = tpu.iota {dimensions = array<i32: 0>} : vector<128x128xi32>
      %eq3A_25 = vector.broadcast %slice3A : vector<1x128xi32> to vector<128x128xi32>
      %eq3A_26 = arith.cmpi eq, %iota3A, %eq3A_25 : vector<128x128xi32>
      %convert_element_type3A_27 = arith.extui %eq3A_26 : vector<128x128xi1> to vector<128x128xi32>
      %convert_element_type3A_28 = arith.sitofp %convert_element_type3A_27 : vector<128x128xi32> to vector<128x128xf32>
      %sub3A = arith.constant 128 : i32
      %sub3A_29 = vector.broadcast %sub3A : i32 to vector<1x128xi32>
      %sub3A_30 = arith.subi %slice3A, %sub3A_29 : vector<1x128xi32>
      %eq3A_31 = vector.broadcast %sub3A_30 : vector<1x128xi32> to vector<128x128xi32>
      %eq3A_32 = arith.cmpi eq, %iota3A, %eq3A_31 : vector<128x128xi32>
      %convert_element_type3A_33 = arith.extui %eq3A_32 : vector<128x128xi1> to vector<128x128xi32>
      %convert_element_type3A_34 = arith.sitofp %convert_element_type3A_33 : vector<128x128xi32> to vector<128x128xf32>
      %eq3A_35 = vector.broadcast %slice3A_22 : vector<1x128xi32> to vector<128x128xi32>
      %eq3A_36 = arith.cmpi eq, %iota3A, %eq3A_35 : vector<128x128xi32>
      %convert_element_type3A_37 = arith.extui %eq3A_36 : vector<128x128xi1> to vector<128x128xi32>
      %convert_element_type3A_38 = arith.sitofp %convert_element_type3A_37 : vector<128x128xi32> to vector<128x128xf32>
      %get3A_39 = arith.constant 0 : index
      %get3A_40 = arith.constant 0 : index
      %get3A_41 = vector.load %arg7[%get3A_39, %get3A_40] : memref<3x128xf32, #tpu.memory_space<vmem>>, vector<3x128xf32>
      %dot_general3A = arith.constant dense<0.000000e+00> : vector<3x128xf32>
      %dot_general3A_42 = tpu.matmul %get3A_41, %convert_element_type3A_28, %dot_general3A {dimension_numbers = #tpu.dot_dimension_numbers<[1], [0], [0], [1], [0, 0, 1, 1], [], []>, precision = #tpu.contract_precision<fp32>, transpose_lhs_hint = false} : vector<3x128xf32>, vector<128x128xf32>, vector<3x128xf32> -> vector<3x128xf32>
      %get3A_43 = arith.constant 0 : index
      %get3A_44 = arith.constant 0 : index
      %get3A_45 = vector.load %arg8[%get3A_43, %get3A_44] : memref<3x128xf32, #tpu.memory_space<vmem>>, vector<3x128xf32>
      %dot_general3A_46 = arith.constant dense<0.000000e+00> : vector<3x128xf32>
      %dot_general3A_47 = tpu.matmul %get3A_45, %convert_element_type3A_34, %dot_general3A_46 {dimension_numbers = #tpu.dot_dimension_numbers<[1], [0], [0], [1], [0, 0, 1, 1], [], []>, precision = #tpu.contract_precision<fp32>, transpose_lhs_hint = false} : vector<3x128xf32>, vector<128x128xf32>, vector<3x128xf32> -> vector<3x128xf32>
      %add3A = arith.addf %dot_general3A_42, %dot_general3A_47 : vector<3x128xf32>
      %get3A_48 = arith.constant 0 : index
      %get3A_49 = arith.constant 0 : index
      %get3A_50 = vector.load %arg9[%get3A_48, %get3A_49] : memref<3x128xf32, #tpu.memory_space<vmem>>, vector<3x128xf32>
      %dot_general3A_51 = arith.constant dense<0.000000e+00> : vector<3x128xf32>
      %dot_general3A_52 = tpu.matmul %get3A_50, %convert_element_type3A_38, %dot_general3A_51 {dimension_numbers = #tpu.dot_dimension_numbers<[1], [0], [0], [1], [0, 0, 1, 1], [], []>, precision = #tpu.contract_precision<fp32>, transpose_lhs_hint = false} : vector<3x128xf32>, vector<128x128xf32>, vector<3x128xf32> -> vector<3x128xf32>
      %slice3A_53 = vector.extract_strided_slice %add3A {offsets = [0, 0], sizes = [1, 128], strides = [1, 1]} : vector<3x128xf32> to vector<1x128xf32>
      %slice3A_54 = vector.extract_strided_slice %add3A {offsets = [1, 0], sizes = [1, 128], strides = [1, 1]} : vector<3x128xf32> to vector<1x128xf32>
      %slice3A_55 = vector.extract_strided_slice %add3A {offsets = [2, 0], sizes = [1, 128], strides = [1, 1]} : vector<3x128xf32> to vector<1x128xf32>
      %slice3A_56 = vector.extract_strided_slice %dot_general3A_52 {offsets = [0, 0], sizes = [1, 128], strides = [1, 1]} : vector<3x128xf32> to vector<1x128xf32>
      %slice3A_57 = vector.extract_strided_slice %dot_general3A_52 {offsets = [1, 0], sizes = [1, 128], strides = [1, 1]} : vector<3x128xf32> to vector<1x128xf32>
      %slice3A_58 = vector.extract_strided_slice %dot_general3A_52 {offsets = [2, 0], sizes = [1, 128], strides = [1, 1]} : vector<3x128xf32> to vector<1x128xf32>
      %sub3A_59 = arith.subf %slice3A_53, %slice3A_56 : vector<1x128xf32>
      %sub3A_60 = arith.subf %slice3A_54, %slice3A_57 : vector<1x128xf32>
      %sub3A_61 = arith.subf %slice3A_55, %slice3A_58 : vector<1x128xf32>
      %mul3A = arith.mulf %slice3A_53, %slice3A_53 : vector<1x128xf32>
      %mul3A_62 = arith.mulf %slice3A_54, %slice3A_54 : vector<1x128xf32>
      %add3A_63 = arith.addf %mul3A, %mul3A_62 : vector<1x128xf32>
      %mul3A_64 = arith.mulf %slice3A_55, %slice3A_55 : vector<1x128xf32>
      %add3A_65 = arith.addf %add3A_63, %mul3A_64 : vector<1x128xf32>
      %mul3A_66 = arith.mulf %slice3A_56, %slice3A_56 : vector<1x128xf32>
      %mul3A_67 = arith.mulf %slice3A_57, %slice3A_57 : vector<1x128xf32>
      %add3A_68 = arith.addf %mul3A_66, %mul3A_67 : vector<1x128xf32>
      %mul3A_69 = arith.mulf %slice3A_58, %slice3A_58 : vector<1x128xf32>
      %add3A_70 = arith.addf %add3A_68, %mul3A_69 : vector<1x128xf32>
      %add3A_71 = arith.addf %add3A_65, %add3A_70 : vector<1x128xf32>
      %mul3A_72 = arith.mulf %slice3A_53, %slice3A_56 : vector<1x128xf32>
      %mul3A_73 = arith.mulf %slice3A_54, %slice3A_57 : vector<1x128xf32>
      %add3A_74 = arith.addf %mul3A_72, %mul3A_73 : vector<1x128xf32>
      %mul3A_75 = arith.mulf %slice3A_55, %slice3A_58 : vector<1x128xf32>
      %add3A_76 = arith.addf %add3A_74, %mul3A_75 : vector<1x128xf32>
      %mul3A_77 = arith.constant 2.000000e+00 : f32
      %mul3A_78 = vector.broadcast %mul3A_77 : f32 to vector<1x128xf32>
      %mul3A_79 = arith.mulf %mul3A_78, %add3A_76 : vector<1x128xf32>
      %sub3A_80 = arith.subf %add3A_71, %mul3A_79 : vector<1x128xf32>
      %max3A = arith.constant 0.000000e+00 : f32
      %max3A_81 = vector.broadcast %max3A : f32 to vector<1x128xf32>
      %max3A_82 = arith.maximumf %sub3A_80, %max3A_81 : vector<1x128xf32>
      %sqrt3A = math.sqrt %max3A_82 : vector<1x128xf32>
      %lt3A = arith.constant 5.000000e+00 : f32
      %lt3A_83 = vector.broadcast %lt3A : f32 to vector<1x128xf32>
      %lt3A_84 = arith.cmpf olt, %sqrt3A, %lt3A_83 : vector<1x128xf32>
      %convert_element_type3A_85 = arith.extui %lt3A_84 : vector<1x128xi1> to vector<1x128xi32>
      %convert_element_type3A_86 = arith.sitofp %convert_element_type3A_85 : vector<1x128xi32> to vector<1x128xf32>
      %mul3A_87 = arith.mulf %convert_element_type3A_24, %convert_element_type3A_86 : vector<1x128xf32>
      %mul3A_88 = arith.mulf %sub3A_59, %sub3A_59 : vector<1x128xf32>
      %mul3A_89 = arith.mulf %sub3A_60, %sub3A_60 : vector<1x128xf32>
      %add3A_90 = arith.addf %mul3A_88, %mul3A_89 : vector<1x128xf32>
      %mul3A_91 = arith.mulf %sub3A_61, %sub3A_61 : vector<1x128xf32>
      %add3A_92 = arith.addf %add3A_90, %mul3A_91 : vector<1x128xf32>
      %add3A_93 = arith.constant 9.99999996E-13 : f32
      %add3A_94 = vector.broadcast %add3A_93 : f32 to vector<1x128xf32>
      %add3A_95 = arith.addf %add3A_92, %add3A_94 : vector<1x128xf32>
      %sqrt3A_96 = math.sqrt %add3A_95 : vector<1x128xf32>
      %add3A_97 = arith.constant 9.99999993E-9 : f32
      %add3A_98 = vector.broadcast %add3A_97 : f32 to vector<1x128xf32>
      %add3A_99 = arith.addf %sqrt3A_96, %add3A_98 : vector<1x128xf32>
      %div3A = arith.constant 1.000000e+00 : f32
      %div3A_100 = vector.broadcast %div3A : f32 to vector<1x128xf32>
      %div3A_101 = arith.divf %div3A_100, %add3A_99 : vector<1x128xf32>
      %mul3A_102 = arith.constant 0.628318548 : f32
      %mul3A_103 = vector.broadcast %mul3A_102 : f32 to vector<1x128xf32>
      %mul3A_104 = arith.mulf %mul3A_103, %sqrt3A_96 : vector<1x128xf32>
      %get3A_105 = arith.constant 0 : index
      %get3A_106 = arith.constant 0 : index
      %get3A_107 = vector.load %arg13[%get3A_105, %get3A_106] : memref<20x1xf32, #tpu.memory_space<vmem>>, vector<20x1xf32>
      %mul3A_108 = vector.broadcast %get3A_107 : vector<20x1xf32> to vector<20x128xf32>
      %mul3A_109 = vector.broadcast %mul3A_104 : vector<1x128xf32> to vector<20x128xf32>
      %mul3A_110 = arith.mulf %mul3A_108, %mul3A_109 : vector<20x128xf32>
      %mul3A_111 = arith.constant 0.159154937 : f32
      %mul3A_112 = vector.broadcast %mul3A_111 : f32 to vector<20x128xf32>
      %mul3A_113 = arith.mulf %mul3A_110, %mul3A_112 : vector<20x128xf32>
      %add3A_114 = arith.constant 5.000000e-01 : f32
      %add3A_115 = vector.broadcast %add3A_114 : f32 to vector<20x128xf32>
      %add3A_116 = arith.addf %mul3A_113, %add3A_115 : vector<20x128xf32>
      %floor3A = math.floor %add3A_116 : vector<20x128xf32>
      %mul3A_117 = arith.constant 6.281250e+00 : f32
      %mul3A_118 = vector.broadcast %mul3A_117 : f32 to vector<20x128xf32>
      %mul3A_119 = arith.mulf %floor3A, %mul3A_118 : vector<20x128xf32>
      %sub3A_120 = arith.subf %mul3A_110, %mul3A_119 : vector<20x128xf32>
      %mul3A_121 = arith.constant 0.00193530717 : f32
      %mul3A_122 = vector.broadcast %mul3A_121 : f32 to vector<20x128xf32>
      %mul3A_123 = arith.mulf %floor3A, %mul3A_122 : vector<20x128xf32>
      %sub3A_124 = arith.subf %sub3A_120, %mul3A_123 : vector<20x128xf32>
      %mul3A_125 = arith.mulf %sub3A_124, %sub3A_124 : vector<20x128xf32>
      %mul3A_126 = arith.constant -2.05342658E-8 : f32
      %mul3A_127 = vector.broadcast %mul3A_126 : f32 to vector<20x128xf32>
      %mul3A_128 = arith.mulf %mul3A_127, %mul3A_125 : vector<20x128xf32>
      %add3A_129 = arith.constant 2.70405167E-6 : f32
      %add3A_130 = vector.broadcast %add3A_129 : f32 to vector<20x128xf32>
      %add3A_131 = arith.addf %mul3A_128, %add3A_130 : vector<20x128xf32>
      %mul3A_132 = arith.mulf %add3A_131, %mul3A_125 : vector<20x128xf32>
      %add3A_133 = arith.constant -1.98125766E-4 : f32
      %add3A_134 = vector.broadcast %add3A_133 : f32 to vector<20x128xf32>
      %add3A_135 = arith.addf %mul3A_132, %add3A_134 : vector<20x128xf32>
      %mul3A_136 = arith.mulf %add3A_135, %mul3A_125 : vector<20x128xf32>
      %add3A_137 = arith.constant 0.00833255798 : f32
      %add3A_138 = vector.broadcast %add3A_137 : f32 to vector<20x128xf32>
      %add3A_139 = arith.addf %mul3A_136, %add3A_138 : vector<20x128xf32>
      %mul3A_140 = arith.mulf %add3A_139, %mul3A_125 : vector<20x128xf32>
      %add3A_141 = arith.constant -0.166665778 : f32
      %add3A_142 = vector.broadcast %add3A_141 : f32 to vector<20x128xf32>
      %add3A_143 = arith.addf %mul3A_140, %add3A_142 : vector<20x128xf32>
      %mul3A_144 = arith.mulf %add3A_143, %mul3A_125 : vector<20x128xf32>
      %add3A_145 = arith.constant 0.999999701 : f32
      %add3A_146 = vector.broadcast %add3A_145 : f32 to vector<20x128xf32>
      %add3A_147 = arith.addf %mul3A_144, %add3A_146 : vector<20x128xf32>
      %mul3A_148 = arith.mulf %sub3A_124, %add3A_147 : vector<20x128xf32>
      %mul3A_149 = vector.broadcast %div3A_101 : vector<1x128xf32> to vector<20x128xf32>
      %mul3A_150 = arith.mulf %mul3A_148, %mul3A_149 : vector<20x128xf32>
      %get3A_151 = arith.constant 0 : index
      %get3A_152 = arith.constant 0 : index
      %get3A_153 = vector.load %arg11[%get3A_151, %get3A_152] : memref<256x20xf32, #tpu.memory_space<vmem>>, vector<256x20xf32>
      %dot_general3A_154 = arith.constant dense<0.000000e+00> : vector<256x128xf32>
      %dot_general3A_155 = tpu.matmul %get3A_153, %mul3A_150, %dot_general3A_154 {dimension_numbers = #tpu.dot_dimension_numbers<[1], [0], [0], [1], [0, 0, 1, 1], [], []>, precision = #tpu.contract_precision<fp32>, transpose_lhs_hint = false} : vector<256x20xf32>, vector<20x128xf32>, vector<256x128xf32> -> vector<256x128xf32>
      %get3A_156 = arith.constant 0 : index
      %get3A_157 = arith.constant 0 : index
      %get3A_158 = vector.load %arg12[%get3A_156, %get3A_157] : memref<256x1xf32, #tpu.memory_space<vmem>>, vector<256x1xf32>
      %add3A_159 = vector.broadcast %get3A_158 : vector<256x1xf32> to vector<256x128xf32>
      %add3A_160 = arith.addf %dot_general3A_155, %add3A_159 : vector<256x128xf32>
      %mul3A_161 = arith.constant 0.628318548 : f32
      %mul3A_162 = vector.broadcast %mul3A_161 : f32 to vector<256x128xf32>
      %mul3A_163 = arith.mulf %mul3A_162, %add3A_160 : vector<256x128xf32>
      %jit3A = arith.constant -3.14159274 : f32
      %jit3A_164 = arith.constant 3.14159274 : f32
      %max3A_165 = vector.broadcast %jit3A : f32 to vector<256x128xf32>
      %max3A_166 = arith.maximumf %max3A_165, %mul3A_163 : vector<256x128xf32>
      %min3A = vector.broadcast %jit3A_164 : f32 to vector<256x128xf32>
      %min3A_167 = arith.minimumf %min3A, %max3A_166 : vector<256x128xf32>
      %mul3A_168 = arith.mulf %min3A_167, %min3A_167 : vector<256x128xf32>
      %mul3A_169 = arith.constant 1.73691339E-9 : f32
      %mul3A_170 = vector.broadcast %mul3A_169 : f32 to vector<256x128xf32>
      %mul3A_171 = arith.mulf %mul3A_170, %mul3A_168 : vector<256x128xf32>
      %add3A_172 = arith.constant -2.71133729E-7 : f32
      %add3A_173 = vector.broadcast %add3A_172 : f32 to vector<256x128xf32>
      %add3A_174 = arith.addf %mul3A_171, %add3A_173 : vector<256x128xf32>
      %mul3A_175 = arith.mulf %add3A_174, %mul3A_168 : vector<256x128xf32>
      %add3A_176 = arith.constant 2.47734242E-5 : f32
      %add3A_177 = vector.broadcast %add3A_176 : f32 to vector<256x128xf32>
      %add3A_178 = arith.addf %mul3A_175, %add3A_177 : vector<256x128xf32>
      %mul3A_179 = arith.mulf %add3A_178, %mul3A_168 : vector<256x128xf32>
      %add3A_180 = arith.constant -0.00138879707 : f32
      %add3A_181 = vector.broadcast %add3A_180 : f32 to vector<256x128xf32>
      %add3A_182 = arith.addf %mul3A_179, %add3A_181 : vector<256x128xf32>
      %mul3A_183 = arith.mulf %add3A_182, %mul3A_168 : vector<256x128xf32>
      %add3A_184 = arith.constant 0.0416665226 : f32
      %add3A_185 = vector.broadcast %add3A_184 : f32 to vector<256x128xf32>
      %add3A_186 = arith.addf %mul3A_183, %add3A_185 : vector<256x128xf32>
      %mul3A_187 = arith.mulf %add3A_186, %mul3A_168 : vector<256x128xf32>
      %add3A_188 = arith.constant -0.499999911 : f32
      %add3A_189 = vector.broadcast %add3A_188 : f32 to vector<256x128xf32>
      %add3A_190 = arith.addf %mul3A_187, %add3A_189 : vector<256x128xf32>
      %mul3A_191 = arith.mulf %add3A_190, %mul3A_168 : vector<256x128xf32>
      %add3A_192 = arith.constant 1.000000e+00 : f32
      %add3A_193 = vector.broadcast %add3A_192 : f32 to vector<256x128xf32>
      %add3A_194 = arith.addf %mul3A_191, %add3A_193 : vector<256x128xf32>
      %add3A_195 = arith.constant 1.000000e+00 : f32
      %add3A_196 = vector.broadcast %add3A_195 : f32 to vector<256x128xf32>
      %add3A_197 = arith.addf %add3A_194, %add3A_196 : vector<256x128xf32>
      %mul3A_198 = arith.constant 5.000000e-01 : f32
      %mul3A_199 = vector.broadcast %mul3A_198 : f32 to vector<256x128xf32>
      %mul3A_200 = arith.mulf %mul3A_199, %add3A_197 : vector<256x128xf32>
      %lt3A_201 = arith.constant 5.000000e+00 : f32
      %lt3A_202 = vector.broadcast %lt3A_201 : f32 to vector<256x128xf32>
      %lt3A_203 = arith.cmpf olt, %add3A_160, %lt3A_202 : vector<256x128xf32>
      %convert_element_type3A_204 = arith.extui %lt3A_203 : vector<256x128xi1> to vector<256x128xi32>
      %convert_element_type3A_205 = arith.sitofp %convert_element_type3A_204 : vector<256x128xi32> to vector<256x128xf32>
      %mul3A_206 = arith.mulf %mul3A_200, %convert_element_type3A_205 : vector<256x128xf32>
      %slice3A_207 = vector.extract_strided_slice %mul3A_206 {offsets = [0, 0], sizes = [128, 128], strides = [1, 1]} : vector<256x128xf32> to vector<128x128xf32>
      %slice3A_208 = vector.extract_strided_slice %mul3A_206 {offsets = [128, 0], sizes = [128, 128], strides = [1, 1]} : vector<256x128xf32> to vector<128x128xf32>
      %mul3A_209 = vector.broadcast %mul3A_87 : vector<1x128xf32> to vector<128x128xf32>
      %mul3A_210 = arith.mulf %slice3A_207, %mul3A_209 : vector<128x128xf32>
      %mul3A_211 = arith.mulf %sub3A_59, %div3A_101 : vector<1x128xf32>
      %mul3A_212 = arith.mulf %mul3A_87, %mul3A_211 : vector<1x128xf32>
      %mul3A_213 = vector.broadcast %mul3A_212 : vector<1x128xf32> to vector<128x128xf32>
      %mul3A_214 = arith.mulf %slice3A_208, %mul3A_213 : vector<128x128xf32>
      %mul3A_215 = arith.mulf %sub3A_60, %div3A_101 : vector<1x128xf32>
      %mul3A_216 = arith.mulf %mul3A_87, %mul3A_215 : vector<1x128xf32>
      %mul3A_217 = vector.broadcast %mul3A_216 : vector<1x128xf32> to vector<128x128xf32>
      %mul3A_218 = arith.mulf %slice3A_208, %mul3A_217 : vector<128x128xf32>
      %mul3A_219 = arith.mulf %sub3A_61, %div3A_101 : vector<1x128xf32>
      %mul3A_220 = arith.mulf %mul3A_87, %mul3A_219 : vector<1x128xf32>
      %mul3A_221 = vector.broadcast %mul3A_220 : vector<1x128xf32> to vector<128x128xf32>
      %mul3A_222 = arith.mulf %slice3A_208, %mul3A_221 : vector<128x128xf32>
      %concatenate3A = tpu.concatenate %mul3A_210, %mul3A_214, %mul3A_218, %mul3A_222 in 0 : vector<128x128xf32>, vector<128x128xf32>, vector<128x128xf32>, vector<128x128xf32> -> vector<512x128xf32>
      %get3A_223 = arith.constant 0 : index
      %get3A_224 = arith.constant 0 : index
      %get3A_225 = vector.load %arg15[%get3A_223, %get3A_224] : memref<512x128xf32, #tpu.memory_space<vmem>>, vector<512x128xf32>
      %dot_general3A_226 = arith.constant dense<0.000000e+00> : vector<512x128xf32>
      %dot_general3A_227 = tpu.matmul %concatenate3A, %convert_element_type3A_38, %dot_general3A_226 {dimension_numbers = #tpu.dot_dimension_numbers<[1], [1], [0], [0], [0, 0, 1, 0], [], []>, precision = #tpu.contract_precision<fp32>, transpose_lhs_hint = false} : vector<512x128xf32>, vector<128x128xf32>, vector<512x128xf32> -> vector<512x128xf32>
      %add3A_228 = arith.addf %get3A_225, %dot_general3A_227 : vector<512x128xf32>
      %swap3A = arith.constant 0 : index
      %swap3A_229 = arith.constant 0 : index
      %swap3A_230 = vector.load %arg15[%swap3A, %swap3A_229] : memref<512x128xf32, #tpu.memory_space<vmem>>, vector<512x128xf32>
      tpu.vector_store %arg15[%swap3A, %swap3A_229], %add3A_228 {strides = array<i32>} : memref<512x128xf32, #tpu.memory_space<vmem>>, vector<512x128xf32>,
    } else {
    }
    %get3A_10 = arith.index_cast %arg0 : i32 to index
    %get3A_11 = memref.load %arg4[%get3A_10] : memref<2528xi32, #tpu.memory_space<smem>>
    %eq3A_12 = arith.constant 1 : i32
    %eq3A_13 = arith.cmpi eq, %get3A_11, %eq3A_12 : i32
    %convert_element_type3A_14 = arith.extui %eq3A_13 : i1 to i32
    %cond3A_15 = arith.constant 0 : i32
    %cond3A_16 = arith.cmpi ne, %convert_element_type3A_14, %cond3A_15 : i32
    scf.if %cond3A_16 {
      %get3A_17 = arith.constant 0 : index
      %get3A_18 = arith.constant 0 : index
      %get3A_19 = vector.load %arg15[%get3A_17, %get3A_18] : memref<512x128xf32, #tpu.memory_space<vmem>>, vector<512x128xf32>
      %swap3A = arith.constant 0 : index
      %swap3A_20 = arith.constant 0 : index
      %swap3A_21 = vector.load %arg14[%swap3A, %swap3A_20] : memref<512x128xf32, #tpu.memory_space<vmem>>, vector<512x128xf32>
      tpu.vector_store %arg14[%swap3A, %swap3A_20], %get3A_19 {strides = array<i32>} : memref<512x128xf32, #tpu.memory_space<vmem>>, vector<512x128xf32>,
    } else {
    }
    return
  }
  func.func @transform_0(%arg0: i32, %arg1: memref<2528xi32, #tpu.memory_space<smem>>, %arg2: memref<2528xi32, #tpu.memory_space<smem>>, %arg3: memref<2528xi32, #tpu.memory_space<smem>>, %arg4: memref<2528xi32, #tpu.memory_space<smem>>, %arg5: memref<2528xi32, #tpu.memory_space<smem>>, %arg6: memref<2528xi32, #tpu.memory_space<smem>>) -> (i32, i32) {
    %get3A = arith.index_cast %arg0 : i32 to index
    %get3A_0 = memref.load %arg2[%get3A] : memref<2528xi32, #tpu.memory_space<smem>>
    %c0_i32 = arith.constant 0 : i32
    %c0_i32_1 = arith.constant 0 : i32
    return %c0_i32, %get3A_0 : i32, i32
  }
  func.func @transform_1(%arg0: i32, %arg1: memref<2528xi32, #tpu.memory_space<smem>>, %arg2: memref<2528xi32, #tpu.memory_space<smem>>, %arg3: memref<2528xi32, #tpu.memory_space<smem>>, %arg4: memref<2528xi32, #tpu.memory_space<smem>>, %arg5: memref<2528xi32, #tpu.memory_space<smem>>, %arg6: memref<2528xi32, #tpu.memory_space<smem>>) -> (i32, i32) {
    %get3A = arith.index_cast %arg0 : i32 to index
    %get3A_0 = memref.load %arg2[%get3A] : memref<2528xi32, #tpu.memory_space<smem>>
    %add3A = arith.constant 1 : i32
    %add3A_1 = arith.addi %get3A_0, %add3A : i32
    %c0_i32 = arith.constant 0 : i32
    %c0_i32_2 = arith.constant 0 : i32
    return %c0_i32, %add3A_1 : i32, i32
  }
  func.func @transform_2(%arg0: i32, %arg1: memref<2528xi32, #tpu.memory_space<smem>>, %arg2: memref<2528xi32, #tpu.memory_space<smem>>, %arg3: memref<2528xi32, #tpu.memory_space<smem>>, %arg4: memref<2528xi32, #tpu.memory_space<smem>>, %arg5: memref<2528xi32, #tpu.memory_space<smem>>, %arg6: memref<2528xi32, #tpu.memory_space<smem>>) -> (i32, i32) {
    %get3A = arith.index_cast %arg0 : i32 to index
    %get3A_0 = memref.load %arg1[%get3A] : memref<2528xi32, #tpu.memory_space<smem>>
    %c0_i32 = arith.constant 0 : i32
    %c0_i32_1 = arith.constant 0 : i32
    return %c0_i32, %get3A_0 : i32, i32
  }
  func.func @transform_3(%arg0: i32, %arg1: memref<2528xi32, #tpu.memory_space<smem>>, %arg2: memref<2528xi32, #tpu.memory_space<smem>>, %arg3: memref<2528xi32, #tpu.memory_space<smem>>, %arg4: memref<2528xi32, #tpu.memory_space<smem>>, %arg5: memref<2528xi32, #tpu.memory_space<smem>>, %arg6: memref<2528xi32, #tpu.memory_space<smem>>) -> (i32, i32, i32) {
    %get3A = arith.index_cast %arg0 : i32 to index
    %get3A_0 = memref.load %arg6[%get3A] : memref<2528xi32, #tpu.memory_space<smem>>
    %c0_i32 = arith.constant 0 : i32
    %c0_i32_1 = arith.constant 0 : i32
    %c0_i32_2 = arith.constant 0 : i32
    return %get3A_0, %c0_i32, %c0_i32_1 : i32, i32, i32
  }
  func.func @transform_4(%arg0: i32, %arg1: memref<2528xi32, #tpu.memory_space<smem>>, %arg2: memref<2528xi32, #tpu.memory_space<smem>>, %arg3: memref<2528xi32, #tpu.memory_space<smem>>, %arg4: memref<2528xi32, #tpu.memory_space<smem>>, %arg5: memref<2528xi32, #tpu.memory_space<smem>>, %arg6: memref<2528xi32, #tpu.memory_space<smem>>) -> (i32, i32) {
    %c0_i32 = arith.constant 0 : i32
    %c0_i32_0 = arith.constant 0 : i32
    %c0_i32_1 = arith.constant 0 : i32
    return %c0_i32, %c0_i32_0 : i32, i32
  }
  func.func @transform_5(%arg0: i32, %arg1: memref<2528xi32, #tpu.memory_space<smem>>, %arg2: memref<2528xi32, #tpu.memory_space<smem>>, %arg3: memref<2528xi32, #tpu.memory_space<smem>>, %arg4: memref<2528xi32, #tpu.memory_space<smem>>, %arg5: memref<2528xi32, #tpu.memory_space<smem>>, %arg6: memref<2528xi32, #tpu.memory_space<smem>>) -> (i32, i32) {
    %c0_i32 = arith.constant 0 : i32
    %c0_i32_0 = arith.constant 0 : i32
    %c0_i32_1 = arith.constant 0 : i32
    return %c0_i32, %c0_i32_0 : i32, i32
  }
  func.func @transform_6(%arg0: i32, %arg1: memref<2528xi32, #tpu.memory_space<smem>>, %arg2: memref<2528xi32, #tpu.memory_space<smem>>, %arg3: memref<2528xi32, #tpu.memory_space<smem>>, %arg4: memref<2528xi32, #tpu.memory_space<smem>>, %arg5: memref<2528xi32, #tpu.memory_space<smem>>, %arg6: memref<2528xi32, #tpu.memory_space<smem>>) -> (i32, i32) {
    %c0_i32 = arith.constant 0 : i32
    %c0_i32_0 = arith.constant 0 : i32
    %c0_i32_1 = arith.constant 0 : i32
    return %c0_i32, %c0_i32_0 : i32, i32
  }
  func.func @transform_7(%arg0: i32, %arg1: memref<2528xi32, #tpu.memory_space<smem>>, %arg2: memref<2528xi32, #tpu.memory_space<smem>>, %arg3: memref<2528xi32, #tpu.memory_space<smem>>, %arg4: memref<2528xi32, #tpu.memory_space<smem>>, %arg5: memref<2528xi32, #tpu.memory_space<smem>>, %arg6: memref<2528xi32, #tpu.memory_space<smem>>) -> (i32, i32) {
    %get3A = arith.index_cast %arg0 : i32 to index
    %get3A_0 = memref.load %arg1[%get3A] : memref<2528xi32, #tpu.memory_space<smem>>
    %c0_i32 = arith.constant 0 : i32
    %c0_i32_1 = arith.constant 0 : i32
    return %c0_i32, %get3A_0 : i32, i32
  }
}

module attributes {stable_mosaic.version = 14 : i64} {
  func.func @_update_body(%arg0: i32, %arg1: memref<512x128xf32, #tpu.memory_space<vmem>>, %arg2: memref<256x128xf32, #tpu.memory_space<vmem>>, %arg3: memref<128x128xf32, #tpu.memory_space<vmem>>, %arg4: memref<128x1xf32, #tpu.memory_space<vmem>>, %arg5: memref<128x128xf32, #tpu.memory_space<vmem>>, %arg6: memref<128x1xf32, #tpu.memory_space<vmem>>, %arg7: memref<128x128xf32, #tpu.memory_space<vmem>>, %arg8: memref<128x1xf32, #tpu.memory_space<vmem>>, %arg9: memref<128x128xf32, #tpu.memory_space<vmem>>, %arg10: memref<128x1xf32, #tpu.memory_space<vmem>>, %arg11: memref<128x128xf32, #tpu.memory_space<vmem>>, %arg12: memref<128x1xf32, #tpu.memory_space<vmem>>, %arg13: memref<128x128xf32, #tpu.memory_space<vmem>>, %arg14: memref<128x1xf32, #tpu.memory_space<vmem>>, %arg15: memref<128x256xf32, #tpu.memory_space<vmem>>, %arg16: memref<128x1xf32, #tpu.memory_space<vmem>>, %arg17: memref<384x128xf32, #tpu.memory_space<vmem>>, %arg18: memref<384x1xf32, #tpu.memory_space<vmem>>, %arg19: memref<128x128xf32, #tpu.memory_space<vmem>>, %arg20: memref<384x128xf32, #tpu.memory_space<vmem>>) attributes {dimension_semantics = [#tpu.dimension_semantics<arbitrary>], iteration_bounds = array<i64: 79>, scalar_prefetch = 0 : i64, scratch_operands = 0 : i64, tpu.core_type = #tpu.core_type<tc>, window_params = [{transform_indices = @transform_0, window_bounds = array<i64: 512, 128>}, {transform_indices = @transform_1, window_bounds = array<i64: 256, 128>}, {pipeline_mode = #tpu.pipeline_mode<synchronous>, transform_indices = @transform_2, window_bounds = array<i64: 128, 128>}, {pipeline_mode = #tpu.pipeline_mode<synchronous>, transform_indices = @transform_3, window_bounds = array<i64: 128, 1>}, {pipeline_mode = #tpu.pipeline_mode<synchronous>, transform_indices = @transform_4, window_bounds = array<i64: 128, 128>}, {pipeline_mode = #tpu.pipeline_mode<synchronous>, transform_indices = @transform_5, window_bounds = array<i64: 128, 1>}, {pipeline_mode = #tpu.pipeline_mode<synchronous>, transform_indices = @transform_6, window_bounds = array<i64: 128, 128>}, {pipeline_mode = #tpu.pipeline_mode<synchronous>, transform_indices = @transform_7, window_bounds = array<i64: 128, 1>}, {pipeline_mode = #tpu.pipeline_mode<synchronous>, transform_indices = @transform_8, window_bounds = array<i64: 128, 128>}, {pipeline_mode = #tpu.pipeline_mode<synchronous>, transform_indices = @transform_9, window_bounds = array<i64: 128, 1>}, {pipeline_mode = #tpu.pipeline_mode<synchronous>, transform_indices = @transform_10, window_bounds = array<i64: 128, 128>}, {pipeline_mode = #tpu.pipeline_mode<synchronous>, transform_indices = @transform_11, window_bounds = array<i64: 128, 1>}, {pipeline_mode = #tpu.pipeline_mode<synchronous>, transform_indices = @transform_12, window_bounds = array<i64: 128, 128>}, {pipeline_mode = #tpu.pipeline_mode<synchronous>, transform_indices = @transform_13, window_bounds = array<i64: 128, 1>}, {pipeline_mode = #tpu.pipeline_mode<synchronous>, transform_indices = @transform_14, window_bounds = array<i64: 128, 256>}, {pipeline_mode = #tpu.pipeline_mode<synchronous>, transform_indices = @transform_15, window_bounds = array<i64: 128, 1>}, {pipeline_mode = #tpu.pipeline_mode<synchronous>, transform_indices = @transform_16, window_bounds = array<i64: 384, 128>}, {pipeline_mode = #tpu.pipeline_mode<synchronous>, transform_indices = @transform_17, window_bounds = array<i64: 384, 1>}, {transform_indices = @transform_18, window_bounds = array<i64: 128, 128>}, {transform_indices = @transform_19, window_bounds = array<i64: 384, 128>}]} {
    %get3A = arith.constant 0 : index
    %get3A_0 = arith.constant 0 : index
    %get3A_1 = vector.load %arg2[%get3A, %get3A_0] : memref<256x128xf32, #tpu.memory_space<vmem>>, vector<128x128xf32>
    %get3A_2 = arith.constant 128 : index
    %get3A_3 = arith.constant 0 : index
    %get3A_4 = vector.load %arg2[%get3A_2, %get3A_3] : memref<256x128xf32, #tpu.memory_space<vmem>>, vector<128x128xf32>
    %get3A_5 = arith.constant 0 : index
    %get3A_6 = arith.constant 0 : index
    %get3A_7 = vector.load %arg1[%get3A_5, %get3A_6] : memref<512x128xf32, #tpu.memory_space<vmem>>, vector<128x128xf32>
    %mul3A = arith.mulf %get3A_1, %get3A_7 : vector<128x128xf32>
    %get3A_8 = arith.constant 128 : index
    %get3A_9 = arith.constant 0 : index
    %get3A_10 = vector.load %arg1[%get3A_8, %get3A_9] : memref<512x128xf32, #tpu.memory_space<vmem>>, vector<128x128xf32>
    %mul3A_11 = arith.mulf %get3A_4, %get3A_10 : vector<128x128xf32>
    %get3A_12 = arith.constant 256 : index
    %get3A_13 = arith.constant 0 : index
    %get3A_14 = vector.load %arg1[%get3A_12, %get3A_13] : memref<512x128xf32, #tpu.memory_space<vmem>>, vector<128x128xf32>
    %mul3A_15 = arith.mulf %get3A_4, %get3A_14 : vector<128x128xf32>
    %get3A_16 = arith.constant 384 : index
    %get3A_17 = arith.constant 0 : index
    %get3A_18 = vector.load %arg1[%get3A_16, %get3A_17] : memref<512x128xf32, #tpu.memory_space<vmem>>, vector<128x128xf32>
    %mul3A_19 = arith.mulf %get3A_4, %get3A_18 : vector<128x128xf32>
    %get3A_20 = arith.constant 0 : index
    %get3A_21 = arith.constant 0 : index
    %get3A_22 = vector.load %arg3[%get3A_20, %get3A_21] : memref<128x128xf32, #tpu.memory_space<vmem>>, vector<128x128xf32>
    %dot_general3A = arith.constant dense<0.000000e+00> : vector<128x128xf32>
    %dot_general3A_23 = tpu.matmul %get3A_22, %mul3A_11, %dot_general3A {dimension_numbers = #tpu.dot_dimension_numbers<[1], [0], [0], [1], [0, 0, 1, 1], [], []>, transpose_lhs_hint = false} : vector<128x128xf32>, vector<128x128xf32>, vector<128x128xf32> -> vector<128x128xf32>
    %get3A_24 = arith.constant 0 : index
    %get3A_25 = arith.constant 0 : index
    %get3A_26 = vector.load %arg4[%get3A_24, %get3A_25] : memref<128x1xf32, #tpu.memory_space<vmem>>, vector<128x1xf32>
    %add3A = vector.broadcast %get3A_26 : vector<128x1xf32> to vector<128x128xf32>
    %add3A_27 = arith.addf %dot_general3A_23, %add3A : vector<128x128xf32>
    %get3A_28 = arith.constant 0 : index
    %get3A_29 = arith.constant 0 : index
    %get3A_30 = vector.load %arg5[%get3A_28, %get3A_29] : memref<128x128xf32, #tpu.memory_space<vmem>>, vector<128x128xf32>
    %dot_general3A_31 = arith.constant dense<0.000000e+00> : vector<128x128xf32>
    %dot_general3A_32 = tpu.matmul %get3A_30, %mul3A_15, %dot_general3A_31 {dimension_numbers = #tpu.dot_dimension_numbers<[1], [0], [0], [1], [0, 0, 1, 1], [], []>, transpose_lhs_hint = false} : vector<128x128xf32>, vector<128x128xf32>, vector<128x128xf32> -> vector<128x128xf32>
    %get3A_33 = arith.constant 0 : index
    %get3A_34 = arith.constant 0 : index
    %get3A_35 = vector.load %arg6[%get3A_33, %get3A_34] : memref<128x1xf32, #tpu.memory_space<vmem>>, vector<128x1xf32>
    %add3A_36 = vector.broadcast %get3A_35 : vector<128x1xf32> to vector<128x128xf32>
    %add3A_37 = arith.addf %dot_general3A_32, %add3A_36 : vector<128x128xf32>
    %get3A_38 = arith.constant 0 : index
    %get3A_39 = arith.constant 0 : index
    %get3A_40 = vector.load %arg7[%get3A_38, %get3A_39] : memref<128x128xf32, #tpu.memory_space<vmem>>, vector<128x128xf32>
    %dot_general3A_41 = arith.constant dense<0.000000e+00> : vector<128x128xf32>
    %dot_general3A_42 = tpu.matmul %get3A_40, %mul3A_19, %dot_general3A_41 {dimension_numbers = #tpu.dot_dimension_numbers<[1], [0], [0], [1], [0, 0, 1, 1], [], []>, transpose_lhs_hint = false} : vector<128x128xf32>, vector<128x128xf32>, vector<128x128xf32> -> vector<128x128xf32>
    %get3A_43 = arith.constant 0 : index
    %get3A_44 = arith.constant 0 : index
    %get3A_45 = vector.load %arg8[%get3A_43, %get3A_44] : memref<128x1xf32, #tpu.memory_space<vmem>>, vector<128x1xf32>
    %add3A_46 = vector.broadcast %get3A_45 : vector<128x1xf32> to vector<128x128xf32>
    %add3A_47 = arith.addf %dot_general3A_42, %add3A_46 : vector<128x128xf32>
    %get3A_48 = arith.constant 0 : index
    %get3A_49 = arith.constant 0 : index
    %get3A_50 = vector.load %arg9[%get3A_48, %get3A_49] : memref<128x128xf32, #tpu.memory_space<vmem>>, vector<128x128xf32>
    %dot_general3A_51 = arith.constant dense<0.000000e+00> : vector<128x128xf32>
    %dot_general3A_52 = tpu.matmul %get3A_50, %mul3A_11, %dot_general3A_51 {dimension_numbers = #tpu.dot_dimension_numbers<[1], [0], [0], [1], [0, 0, 1, 1], [], []>, transpose_lhs_hint = false} : vector<128x128xf32>, vector<128x128xf32>, vector<128x128xf32> -> vector<128x128xf32>
    %get3A_53 = arith.constant 0 : index
    %get3A_54 = arith.constant 0 : index
    %get3A_55 = vector.load %arg10[%get3A_53, %get3A_54] : memref<128x1xf32, #tpu.memory_space<vmem>>, vector<128x1xf32>
    %add3A_56 = vector.broadcast %get3A_55 : vector<128x1xf32> to vector<128x128xf32>
    %add3A_57 = arith.addf %dot_general3A_52, %add3A_56 : vector<128x128xf32>
    %get3A_58 = arith.constant 0 : index
    %get3A_59 = arith.constant 0 : index
    %get3A_60 = vector.load %arg11[%get3A_58, %get3A_59] : memref<128x128xf32, #tpu.memory_space<vmem>>, vector<128x128xf32>
    %dot_general3A_61 = arith.constant dense<0.000000e+00> : vector<128x128xf32>
    %dot_general3A_62 = tpu.matmul %get3A_60, %mul3A_15, %dot_general3A_61 {dimension_numbers = #tpu.dot_dimension_numbers<[1], [0], [0], [1], [0, 0, 1, 1], [], []>, transpose_lhs_hint = false} : vector<128x128xf32>, vector<128x128xf32>, vector<128x128xf32> -> vector<128x128xf32>
    %get3A_63 = arith.constant 0 : index
    %get3A_64 = arith.constant 0 : index
    %get3A_65 = vector.load %arg12[%get3A_63, %get3A_64] : memref<128x1xf32, #tpu.memory_space<vmem>>, vector<128x1xf32>
    %add3A_66 = vector.broadcast %get3A_65 : vector<128x1xf32> to vector<128x128xf32>
    %add3A_67 = arith.addf %dot_general3A_62, %add3A_66 : vector<128x128xf32>
    %get3A_68 = arith.constant 0 : index
    %get3A_69 = arith.constant 0 : index
    %get3A_70 = vector.load %arg13[%get3A_68, %get3A_69] : memref<128x128xf32, #tpu.memory_space<vmem>>, vector<128x128xf32>
    %dot_general3A_71 = arith.constant dense<0.000000e+00> : vector<128x128xf32>
    %dot_general3A_72 = tpu.matmul %get3A_70, %mul3A_19, %dot_general3A_71 {dimension_numbers = #tpu.dot_dimension_numbers<[1], [0], [0], [1], [0, 0, 1, 1], [], []>, transpose_lhs_hint = false} : vector<128x128xf32>, vector<128x128xf32>, vector<128x128xf32> -> vector<128x128xf32>
    %get3A_73 = arith.constant 0 : index
    %get3A_74 = arith.constant 0 : index
    %get3A_75 = vector.load %arg14[%get3A_73, %get3A_74] : memref<128x1xf32, #tpu.memory_space<vmem>>, vector<128x1xf32>
    %add3A_76 = vector.broadcast %get3A_75 : vector<128x1xf32> to vector<128x128xf32>
    %add3A_77 = arith.addf %dot_general3A_72, %add3A_76 : vector<128x128xf32>
    %mul3A_78 = arith.mulf %add3A_57, %add3A_57 : vector<128x128xf32>
    %mul3A_79 = arith.mulf %add3A_67, %add3A_67 : vector<128x128xf32>
    %add3A_80 = arith.addf %mul3A_78, %mul3A_79 : vector<128x128xf32>
    %mul3A_81 = arith.mulf %add3A_77, %add3A_77 : vector<128x128xf32>
    %add3A_82 = arith.addf %add3A_80, %mul3A_81 : vector<128x128xf32>
    %add3A_83 = arith.constant 9.99999996E-13 : f32
    %add3A_84 = vector.broadcast %add3A_83 : f32 to vector<128x128xf32>
    %add3A_85 = arith.addf %add3A_82, %add3A_84 : vector<128x128xf32>
    %sqrt3A = math.sqrt %add3A_85 : vector<128x128xf32>
    %get3A_86 = arith.constant 0 : index
    %get3A_87 = arith.constant 0 : index
    %get3A_88 = vector.load %arg15[%get3A_86, %get3A_87] : memref<128x256xf32, #tpu.memory_space<vmem>>, vector<128x256xf32>
    %slice3A = vector.extract_strided_slice %get3A_88 {offsets = [0, 0], sizes = [128, 128], strides = [1, 1]} : vector<128x256xf32> to vector<128x128xf32>
    %dot_general3A_89 = arith.constant dense<0.000000e+00> : vector<128x128xf32>
    %dot_general3A_90 = tpu.matmul %slice3A, %sqrt3A, %dot_general3A_89 {dimension_numbers = #tpu.dot_dimension_numbers<[1], [0], [0], [1], [0, 0, 1, 1], [], []>, transpose_lhs_hint = false} : vector<128x128xf32>, vector<128x128xf32>, vector<128x128xf32> -> vector<128x128xf32>
    %slice3A_91 = vector.extract_strided_slice %get3A_88 {offsets = [0, 128], sizes = [128, 128], strides = [1, 1]} : vector<128x256xf32> to vector<128x128xf32>
    %dot_general3A_92 = arith.constant dense<0.000000e+00> : vector<128x128xf32>
    %dot_general3A_93 = tpu.matmul %slice3A_91, %mul3A, %dot_general3A_92 {dimension_numbers = #tpu.dot_dimension_numbers<[1], [0], [0], [1], [0, 0, 1, 1], [], []>, transpose_lhs_hint = false} : vector<128x128xf32>, vector<128x128xf32>, vector<128x128xf32> -> vector<128x128xf32>
    %add3A_94 = arith.addf %dot_general3A_90, %dot_general3A_93 : vector<128x128xf32>
    %get3A_95 = arith.constant 0 : index
    %get3A_96 = arith.constant 0 : index
    %get3A_97 = vector.load %arg16[%get3A_95, %get3A_96] : memref<128x1xf32, #tpu.memory_space<vmem>>, vector<128x1xf32>
    %add3A_98 = vector.broadcast %get3A_97 : vector<128x1xf32> to vector<128x128xf32>
    %add3A_99 = arith.addf %add3A_94, %add3A_98 : vector<128x128xf32>
    %logistic3A = arith.negf %add3A_99 : vector<128x128xf32>
    %logistic3A_100 = math.exp %logistic3A : vector<128x128xf32>
    %logistic3A_101 = arith.constant 1.000000e+00 : f32
    %logistic3A_102 = vector.broadcast %logistic3A_101 : f32 to vector<128x128xf32>
    %logistic3A_103 = arith.addf %logistic3A_102, %logistic3A_100 : vector<128x128xf32>
    %logistic3A_104 = arith.divf %logistic3A_102, %logistic3A_103 : vector<128x128xf32>
    %mul3A_105 = arith.mulf %add3A_99, %logistic3A_104 : vector<128x128xf32>
    %get3A_106 = arith.constant 0 : index
    %get3A_107 = arith.constant 0 : index
    %get3A_108 = vector.load %arg17[%get3A_106, %get3A_107] : memref<384x128xf32, #tpu.memory_space<vmem>>, vector<384x128xf32>
    %dot_general3A_109 = arith.constant dense<0.000000e+00> : vector<384x128xf32>
    %dot_general3A_110 = tpu.matmul %get3A_108, %mul3A_105, %dot_general3A_109 {dimension_numbers = #tpu.dot_dimension_numbers<[1], [0], [0], [1], [0, 0, 1, 1], [], []>, transpose_lhs_hint = false} : vector<384x128xf32>, vector<128x128xf32>, vector<384x128xf32> -> vector<384x128xf32>
    %get3A_111 = arith.constant 0 : index
    %get3A_112 = arith.constant 0 : index
    %get3A_113 = vector.load %arg18[%get3A_111, %get3A_112] : memref<384x1xf32, #tpu.memory_space<vmem>>, vector<384x1xf32>
    %add3A_114 = vector.broadcast %get3A_113 : vector<384x1xf32> to vector<384x128xf32>
    %add3A_115 = arith.addf %dot_general3A_110, %add3A_114 : vector<384x128xf32>
    %slice3A_116 = vector.extract_strided_slice %add3A_115 {offsets = [0, 0], sizes = [128, 128], strides = [1, 1]} : vector<384x128xf32> to vector<128x128xf32>
    %slice3A_117 = vector.extract_strided_slice %add3A_115 {offsets = [128, 0], sizes = [128, 128], strides = [1, 1]} : vector<384x128xf32> to vector<128x128xf32>
    %slice3A_118 = vector.extract_strided_slice %add3A_115 {offsets = [256, 0], sizes = [128, 128], strides = [1, 1]} : vector<384x128xf32> to vector<128x128xf32>
    %mul3A_119 = arith.mulf %add3A_27, %add3A_57 : vector<128x128xf32>
    %mul3A_120 = arith.mulf %add3A_37, %add3A_67 : vector<128x128xf32>
    %add3A_121 = arith.addf %mul3A_119, %mul3A_120 : vector<128x128xf32>
    %mul3A_122 = arith.mulf %add3A_47, %add3A_77 : vector<128x128xf32>
    %add3A_123 = arith.addf %add3A_121, %mul3A_122 : vector<128x128xf32>
    %mul3A_124 = arith.mulf %add3A_123, %slice3A_117 : vector<128x128xf32>
    %add3A_125 = arith.addf %mul3A_124, %slice3A_118 : vector<128x128xf32>
    %swap3A = arith.constant 0 : index
    %swap3A_126 = arith.constant 0 : index
    %swap3A_127 = vector.load %arg19[%swap3A, %swap3A_126] : memref<128x128xf32, #tpu.memory_space<vmem>>, vector<128x128xf32>
    tpu.vector_store %arg19[%swap3A, %swap3A_126], %add3A_125 {strides = array<i32>} : memref<128x128xf32, #tpu.memory_space<vmem>>, vector<128x128xf32>,
    %mul3A_128 = arith.mulf %slice3A_116, %add3A_27 : vector<128x128xf32>
    %swap3A_129 = arith.constant 0 : index
    %swap3A_130 = arith.constant 0 : index
    %swap3A_131 = vector.load %arg20[%swap3A_129, %swap3A_130] : memref<384x128xf32, #tpu.memory_space<vmem>>, vector<128x128xf32>
    tpu.vector_store %arg20[%swap3A_129, %swap3A_130], %mul3A_128 {strides = array<i32>} : memref<384x128xf32, #tpu.memory_space<vmem>>, vector<128x128xf32>,
    %mul3A_132 = arith.mulf %slice3A_116, %add3A_37 : vector<128x128xf32>
    %swap3A_133 = arith.constant 128 : index
    %swap3A_134 = arith.constant 0 : index
    %swap3A_135 = vector.load %arg20[%swap3A_133, %swap3A_134] : memref<384x128xf32, #tpu.memory_space<vmem>>, vector<128x128xf32>
    tpu.vector_store %arg20[%swap3A_133, %swap3A_134], %mul3A_132 {strides = array<i32>} : memref<384x128xf32, #tpu.memory_space<vmem>>, vector<128x128xf32>,
    %mul3A_136 = arith.mulf %slice3A_116, %add3A_47 : vector<128x128xf32>
    %swap3A_137 = arith.constant 256 : index
    %swap3A_138 = arith.constant 0 : index
    %swap3A_139 = vector.load %arg20[%swap3A_137, %swap3A_138] : memref<384x128xf32, #tpu.memory_space<vmem>>, vector<128x128xf32>
    tpu.vector_store %arg20[%swap3A_137, %swap3A_138], %mul3A_136 {strides = array<i32>} : memref<384x128xf32, #tpu.memory_space<vmem>>, vector<128x128xf32>,
    return
  }
  func.func @transform_0(%arg0: i32) -> (i32, i32) {
    %c0_i32 = arith.constant 0 : i32
    %c0_i32_0 = arith.constant 0 : i32
    return %c0_i32, %arg0 : i32, i32
  }
  func.func @transform_1(%arg0: i32) -> (i32, i32) {
    %c0_i32 = arith.constant 0 : i32
    %c0_i32_0 = arith.constant 0 : i32
    return %c0_i32, %arg0 : i32, i32
  }
  func.func @transform_2(%arg0: i32) -> (i32, i32) {
    %c0_i32 = arith.constant 0 : i32
    %c0_i32_0 = arith.constant 0 : i32
    %c0_i32_1 = arith.constant 0 : i32
    return %c0_i32, %c0_i32_0 : i32, i32
  }
  func.func @transform_3(%arg0: i32) -> (i32, i32) {
    %c0_i32 = arith.constant 0 : i32
    %c0_i32_0 = arith.constant 0 : i32
    %c0_i32_1 = arith.constant 0 : i32
    return %c0_i32, %c0_i32_0 : i32, i32
  }
  func.func @transform_4(%arg0: i32) -> (i32, i32) {
    %c0_i32 = arith.constant 0 : i32
    %c0_i32_0 = arith.constant 0 : i32
    %c0_i32_1 = arith.constant 0 : i32
    return %c0_i32, %c0_i32_0 : i32, i32
  }
  func.func @transform_5(%arg0: i32) -> (i32, i32) {
    %c0_i32 = arith.constant 0 : i32
    %c0_i32_0 = arith.constant 0 : i32
    %c0_i32_1 = arith.constant 0 : i32
    return %c0_i32, %c0_i32_0 : i32, i32
  }
  func.func @transform_6(%arg0: i32) -> (i32, i32) {
    %c0_i32 = arith.constant 0 : i32
    %c0_i32_0 = arith.constant 0 : i32
    %c0_i32_1 = arith.constant 0 : i32
    return %c0_i32, %c0_i32_0 : i32, i32
  }
  func.func @transform_7(%arg0: i32) -> (i32, i32) {
    %c0_i32 = arith.constant 0 : i32
    %c0_i32_0 = arith.constant 0 : i32
    %c0_i32_1 = arith.constant 0 : i32
    return %c0_i32, %c0_i32_0 : i32, i32
  }
  func.func @transform_8(%arg0: i32) -> (i32, i32) {
    %c0_i32 = arith.constant 0 : i32
    %c0_i32_0 = arith.constant 0 : i32
    %c0_i32_1 = arith.constant 0 : i32
    return %c0_i32, %c0_i32_0 : i32, i32
  }
  func.func @transform_9(%arg0: i32) -> (i32, i32) {
    %c0_i32 = arith.constant 0 : i32
    %c0_i32_0 = arith.constant 0 : i32
    %c0_i32_1 = arith.constant 0 : i32
    return %c0_i32, %c0_i32_0 : i32, i32
  }
  func.func @transform_10(%arg0: i32) -> (i32, i32) {
    %c0_i32 = arith.constant 0 : i32
    %c0_i32_0 = arith.constant 0 : i32
    %c0_i32_1 = arith.constant 0 : i32
    return %c0_i32, %c0_i32_0 : i32, i32
  }
  func.func @transform_11(%arg0: i32) -> (i32, i32) {
    %c0_i32 = arith.constant 0 : i32
    %c0_i32_0 = arith.constant 0 : i32
    %c0_i32_1 = arith.constant 0 : i32
    return %c0_i32, %c0_i32_0 : i32, i32
  }
  func.func @transform_12(%arg0: i32) -> (i32, i32) {
    %c0_i32 = arith.constant 0 : i32
    %c0_i32_0 = arith.constant 0 : i32
    %c0_i32_1 = arith.constant 0 : i32
    return %c0_i32, %c0_i32_0 : i32, i32
  }
  func.func @transform_13(%arg0: i32) -> (i32, i32) {
    %c0_i32 = arith.constant 0 : i32
    %c0_i32_0 = arith.constant 0 : i32
    %c0_i32_1 = arith.constant 0 : i32
    return %c0_i32, %c0_i32_0 : i32, i32
  }
  func.func @transform_14(%arg0: i32) -> (i32, i32) {
    %c0_i32 = arith.constant 0 : i32
    %c0_i32_0 = arith.constant 0 : i32
    %c0_i32_1 = arith.constant 0 : i32
    return %c0_i32, %c0_i32_0 : i32, i32
  }
  func.func @transform_15(%arg0: i32) -> (i32, i32) {
    %c0_i32 = arith.constant 0 : i32
    %c0_i32_0 = arith.constant 0 : i32
    %c0_i32_1 = arith.constant 0 : i32
    return %c0_i32, %c0_i32_0 : i32, i32
  }
  func.func @transform_16(%arg0: i32) -> (i32, i32) {
    %c0_i32 = arith.constant 0 : i32
    %c0_i32_0 = arith.constant 0 : i32
    %c0_i32_1 = arith.constant 0 : i32
    return %c0_i32, %c0_i32_0 : i32, i32
  }
  func.func @transform_17(%arg0: i32) -> (i32, i32) {
    %c0_i32 = arith.constant 0 : i32
    %c0_i32_0 = arith.constant 0 : i32
    %c0_i32_1 = arith.constant 0 : i32
    return %c0_i32, %c0_i32_0 : i32, i32
  }
  func.func @transform_18(%arg0: i32) -> (i32, i32) {
    %c0_i32 = arith.constant 0 : i32
    %c0_i32_0 = arith.constant 0 : i32
    return %c0_i32, %arg0 : i32, i32
  }
  func.func @transform_19(%arg0: i32) -> (i32, i32) {
    %c0_i32 = arith.constant 0 : i32
    %c0_i32_0 = arith.constant 0 : i32
    return %c0_i32, %arg0 : i32, i32
  }
}

</mosaic_0001>

<sc_bundles>
// kernel: scatter_offload_async_start.1
scs
__scs_entry_jumppad:
0x0: {  	(pc) =	sbr.rel $0x88, $3  }
0x1: {  	(tag) =	ssettag $0x0;
	lr =	simm.s32 $0x1  }
0x2: {  	[smem:$0x3F87] =	sst lr;
	_ =	strace $0xD0000000  }
0x3: {  	_ = 	snop  }
0x4: {  	_ = 	snop  }
0x5: {  	_ = 	snop  }
0x6: {  	_ = 	snop  }
0x7: {  	_ = 	snop  }
__scs_overlays_trampoline_lowered:
0x8: {  	[smem:$0x3F96] =	sst s0  }
0x9: {  	[smem:$0x3F97] =	sst s1  }
0xa: {  	[smem:$0x3F98] =	sst s2  }
0xb: {  	[smem:$0x3F99] =	sst s3  }
0xc: {  	[smem:$0x3F9A] =	sst s4  }
0xd: {  	[smem:$0x3F9B] =	sst s5  }
0xe: {  	[smem:$0x3F9C] =	sst s6  }
0xf: {  	[smem:$0x3F9D] =	sst s7  }
0x10: {  	[smem:$0x3F9E] =	sst s8  }
0x11: {  	[smem:$0x3F9F] =	sst s9;
	s0 =	simm.s32 @!p0 $0x0  }
0x12: {  	s1 =	sld [smem:$0x3F85];
	s0 =	simm.s32 @p0 $0x1  }
0x13: {  	[smem:$0x3FA0] =	sst s0;
	s0 =	simm.s32 @!p1 $0x0  }
0x14: {  	s2 =	sld [smem:$0x3F84];
	s0 =	simm.s32 @p1 $0x1  }
0x15: {  	[smem:$0x3FA1] =	sst s0;
	s0 =	simm.s32 @!p2 $0x0  }
0x16: {  	s3 =	sld [smem:$0x3FDB];
	s0 =	simm.s32 @p2 $0x1  }
0x17: {  	s4 =	simm.s32 $0x1BF5;
	[smem:$0x3FA3] =	sst s0  }
0x18: {  	s0 =	sld [smem:$0x3F86];
	_ =	swait.ge [sflag:s4], $0x0  }
0x19: {  	s7 =	sld [smem:$0x3F87]  }
0x1a: {  	s8 =	sadd.s32 $0xFFFFE003, lr  }
0x1b: {  	s9 =	sadd.s32 $0xFFFFFEF7, lr;
	s5 =	simm.s32 $0xFFFFFFFF;
	p2 =	slt.u32 s8, $0xFFFFF086  }
0x1c: {  	p1 =	slt.u32 s9, $0xF7A;
	s5 =	simm.s32 @!p2 $0x0  }
0x1d: {  	s5 =	simm.s32 @p1 $0x1;
	p0 =	seq.s32 s7, s2  }
0x1e: {  	s7 =	smul.u32 @!p0 $0xF7A, s2;
	p2 =	seq.s32 @!p0 s5, $0x0  }
0x1f: {  	s9 =	smul.u32 $0xF7A, s1;
	s8 =	simm.s32 @!p0 $0x1BF5;
	p2 =	por !p2, p0  }
0x20: {  	[sflag:s8] =	ssyncset.s32 @!p0 $0xFFFFF086;
	s6 =	sadd.s32 @!p0 s3, s7;
	s7 =	simm.s32 @!p0 $0x108  }
0x21: {  	s3 =	sadd.s32 s3, s9;
	s6 =	sadd.s32 @!p0 $0x88, s6;
	s7 =	simm.s32 @p2 $0x1082  }
0x22: {  	[simem:s7], [sflag:s8] =	dma.local @!p0 [hbm:s6], $0xF7A  }
0x23: {  	s9 =	sor.u32 $0xD0000000, s2;
	s6 =	simm.s32 $0x108;
	_ =	swait.ge @!p0 [sflag:s8], $0x0  }
0x24: {  	s3 =	sadd.s32 $0x88, s3;
	s6 =	simm.s32 @!p1 $0x1082;
	[sflag:s4] =	ssyncset.s32 $0xFFFFF086  }
0x25: {  	[simem:s6], [sflag:s4] =	dma.local [hbm:s3], $0xF7A  }
0x26: {  	[smem:$0x3F87] =	sst s1;
	(tag) =	ssettag s2;
	_ =	strace s9  }
0x27: {  	s1 =	sld [smem:$0x3F97]  }
0x28: {  	s2 =	sld [smem:$0x3F98]  }
0x29: {  	s4 =	sld [smem:$0x3F9A]  }
0x2a: {  	p0 =	seq.s32 s5, $0x0;
	s5 =	sld [smem:$0x3F9B]  }
0x2b: {  	s6 =	sld [smem:$0x3F9C]  }
0x2c: {  	s7 =	sld [smem:$0x3F9D]  }
0x2d: {  	s3 =	simm.s32 $0x108;
	s8 =	sld [smem:$0x3F9E]  }
0x2e: {  	s3 =	simm.s32 @!p0 $0x1082;
	s9 =	sld [smem:$0x3F9F]  }
0x2f: {  	lr =	sadd.s32 s0, s3;
	s0 =	sld [smem:$0x3F96]  }
0x30: {  	s3 =	sld [smem:$0x3F99]  }
0x31: {  	[smem:$0x3FA2] =	sst s10  }
0x32: {  	s10 =	sld [smem:$0x3FA0];
	_ =	sdelay $0x3  }
0x33: {  	p0 =	seq.s32 s10, $0x1;
	s10 =	sld [smem:$0x3FA2];
	_ =	sdelay $0x3  }
0x34: {  	[smem:$0x3FA2] =	sst s10  }
0x35: {  	s10 =	sld [smem:$0x3FA1];
	_ =	sdelay $0x3  }
0x36: {  	p1 =	seq.s32 s10, $0x1;
	s10 =	sld [smem:$0x3FA2];
	_ =	sdelay $0x3  }
0x37: {  	[smem:$0x3FA2] =	sst s10  }
0x38: {  	s10 =	sld [smem:$0x3FA3]  }
0x39: {  	_ = 	snop;
	(pc) =	sbr.ind lr, $3  }
0x3a: {  	_ = 	snop  }
0x3b: {  	_ = 	snop  }
0x3c: {  	p2 =	seq.s32 s10, $0x1;
	s10 =	sld [smem:$0x3FA2]  }
0x3d: {  	_ =	shalt  }
0x3e: {  	_ =	shalt  }
0x3f: {  	_ =	shalt  }
0x40: {  	_ =	shalt  }
0x41: {  	_ =	shalt  }
0x42: {  	_ =	shalt  }
0x43: {  	_ =	shalt  }
0x44: {  	_ =	shalt  }
0x45: {  	_ =	shalt  }
0x46: {  	_ =	shalt  }
0x47: {  	_ =	shalt  }
0x48: {  	_ =	shalt  }
0x49: {  	_ =	shalt  }
0x4a: {  	_ =	shalt  }
0x4b: {  	_ =	shalt  }
0x4c: {  	_ =	shalt  }
0x4d: {  	_ =	shalt  }
0x4e: {  	_ =	shalt  }
0x4f: {  	_ =	shalt  }
0x50: {  	_ =	shalt  }
0x51: {  	_ =	shalt  }
0x52: {  	_ =	shalt  }
0x53: {  	_ =	shalt  }
0x54: {  	_ =	shalt  }
0x55: {  	_ =	shalt  }
0x56: {  	_ =	shalt  }
0x57: {  	_ =	shalt  }
0x58: {  	_ =	shalt  }
0x59: {  	_ =	shalt  }
0x5a: {  	_ =	shalt  }
0x5b: {  	_ =	shalt  }
0x5c: {  	_ =	shalt  }
0x5d: {  	_ =	shalt  }
0x5e: {  	_ =	shalt  }
0x5f: {  	_ =	shalt  }
0x60: {  	_ =	shalt  }
0x61: {  	_ =	shalt  }
0x62: {  	_ =	shalt  }
0x63: {  	_ =	shalt  }
0x64: {  	_ =	shalt  }
0x65: {  	_ =	shalt  }
0x66: {  	_ =	shalt  }
0x67: {  	_ =	shalt  }
0x68: {  	_ =	shalt  }
0x69: {  	_ =	shalt  }
0x6a: {  	_ =	shalt  }
0x6b: {  	_ =	shalt  }
0x6c: {  	_ =	shalt  }
0x6d: {  	_ =	shalt  }
0x6e: {  	_ =	shalt  }
0x6f: {  	_ =	shalt  }
0x70: {  	_ =	shalt  }
0x71: {  	_ =	shalt  }
0x72: {  	_ =	shalt  }
0x73: {  	_ =	shalt  }
0x74: {  	_ =	shalt  }
0x75: {  	_ =	shalt  }
0x76: {  	_ =	shalt  }
0x77: {  	_ =	shalt  }
0x78: {  	_ =	shalt  }
0x79: {  	_ =	shalt  }
0x7a: {  	_ =	shalt  }
0x7b: {  	_ =	shalt  }
0x7c: {  	_ =	shalt  }
0x7d: {  	_ =	shalt  }
0x7e: {  	_ =	shalt  }
0x7f: {  	_ =	shalt  }
0x80: {  	_ =	shalt  }
0x81: {  	_ =	shalt  }
0x82: {  	_ =	shalt  }
0x83: {  	_ =	shalt  }
0x84: {  	_ =	shalt  }
0x85: {  	_ =	shalt  }
0x86: {  	_ =	shalt  }
0x87: {  	_ =	shalt  }
.Lfunc_end0:
.L_simem_size_0:
called_computation.1_lowered:
.L_overlay_start_0:
0x88: {  	s0 =	sld [smem:$0x3FD9]  }
0x89: {  	s1 =	sld [smem:$0x3FFE];
	_ =	sdelay $0x3  }
0x8a: {  	s0 =	sadd.s32 s1, s0  }
0x8b: {  	[smem:$0x3FAE] =	sst s0  }
0x8c: {  	_ = 	snop  }
0x8d: {  	(tm) =	ssettm $0x1  }
0x8e: {  	s15 =	sld [smem:$0x3FFB];
	_ =	sdelay $0x3  }
0x8f: {  	_ =	strace s15  }
0x90: {  	s0 =	sld [smem:$0x3FFC];
	_ =	sdelay $0x3  }
0x91: {  	_ =	strace s0  }
0x92: {  	s0 =	sld [smem:$0x3FFD];
	_ =	sdelay $0x3  }
0x93: {  	_ =	strace s0  }
0x94: {  	_ =	strace $0x8FFFFFFF  }
0x95: {  	s16 =	sld [smem:$0x3FDB];
	_ =	sdelay $0x1  }
0x96: {  	s17 =	simm.s32 $_scs_section_size  }
0x97: {  	s2 =	simm.s32 $_size__tile_overlayer_lowered;
	s3 =	simm.s32 $_tile_overlayer_lowered  }
0x98: {  	s20 =	simm.s32 $0x1BFF;
	s19 =	sshll.u32 s3, $0x1;
	s0 =	sadd.s32 s17, s16  }
0x99: {  	s4 =	simm.s32 $0x0;
	s18 =	sshll.u32 s2, $0x1;
	s2 =	sadd.s32 s19, s0  }
0x9a: {  	[timem:s4], [sflag:s20] =	dma.local [hbm:s2], s18  }
0x9b: {  	_ =	swait.ge [sflag:s20], s18  }
0x9c: {  	s1 =	ssub.s32 $0x0, s18;
	[sflag:s20] =	ssyncset.done $0x0  }
0x9d: {  	[sflag:s20] =	ssyncadd.s32 s1;
	_ =	sdelay $0x1  }
0x9e: {  	s21 =	simm.s32 $0x1B8B  }
0x9f: {  	_ =	swait.ge [sflag:s21], $0x1  }
0xa0: {  	[sflag:s21] =	ssyncset.done $0x0  }
0xa1: {  	s23 =	simm.s32 $0x1B8E;
	s22 =	sld [smem:$0x3FFE];
	[sflag:s21] =	ssyncadd.s32 $0xFFFFFFFF  }
0xa2: {  	s24 =	simm.s32 $execute0_lowered;
	[smem:$0x3FD2] =	sst s23  }
0xa3: {  	s2 =	sshll.u32 s24, $0x1;
	_ =	strace $0x8000004C;
	[dreg:$0x1] =	wrdreg $0xFFFFFFFF  }
0xa4: {  	s25 =	simm.s32 $_size_execute0_lowered;
	s0 =	sadd.s32 s0, s2;
	[dreg:$0x0] =	wrdreg $0x0  }
0xa5: {  	s2 =	sshll.u32 s25, $0x1;
	[dreg:$0x2] =	wrdreg s0  }
0xa6: {  	[dreg:$0x3] =	wrdreg s2  }
0xa7: {  	[dreg:$0x4] =	wrdreg $0xC0  }
0xa8: {  	_ =	task [dreg:s4], $0x5FFFF  }
0xa9: {  	[dreg:$0x1] =	wrdreg $0xFFFFFFFF  }
0xaa: {  	[dreg:$0x0] =	wrdreg $0x60  }
0xab: {  	[dreg:$0x2] =	wrdreg s22  }
0xac: {  	[dreg:$0x3] =	wrdreg $0x9  }
0xad: {  	_ =	task.clear_ibuf [dreg:s4], $0x4FFFF;
	_ =	strace $0x9000004C  }
0xae: {  	s26 =	simm.s32 $0x9;
	_ =	strace $0x8000004E  }
0xaf: {  	_ =	swait.ge [sflag:s26], $0x1  }
0xb0: {  	[sflag:s26] =	ssyncadd.s32 $0xFFFFFFFF  }
0xb1: {  	_ =	strace $0x9000004E  }
0xb2: {  	_ =	sfence  }
0xb3: {  	s28 =	sld [smem:$0x0];
	_ =	sdelay $0x1  }
0xb4: {  	s29 =	srdreg.scid  }
0xb5: {  	s30 =	sshll.u32 s29, $0xD;
	s31 =	sshrl.u32 s29, $0x2  }
0xb6: {  	s1 =	sand.u32 $0x1, s29;
	s2 =	sand.u32 $0x4000, s30;
	s0 =	sadd.s32 s31, s28  }
0xb7: {  	s1 =	sor.u32 s2, s1;
	s0 =	sshll.u32 s0, $0x11  }
0xb8: {  	s0 =	sor.u32 s0, s1  }
0xb9: {  	s0 =	sadd.s32 $0x8F2B, s0  }
0xba: {  	[sflag:s0] =	ssyncadd.remote.s32 $0x1  }
0xbb: {  	_ =	sfence.sel $0xFFFF  }
0xbc: {  	[dreg:$0x0] =	wrdreg $0xFFFFFFFF;
	(pc) =	sbr.abs _section_cstart, $3  }
0xbd: {  	[dreg:$0x1] =	wrdreg $0xFFFFFFFF  }
0xbe: {  	_ =	task.clear_ibuf [dreg:s4], $0x2FFFF;
	_ =	strace $0x9FFFFFFF  }
0xbf: {  	(tm) =	ssettm $0x7FFFFFFF  }
tec
execute0_lowered:
.L_overlay_start_1:
0x0: {  	(tag) =	ssettag $0x1  }
0x1: {  	s2 =	rddreg [dreg:$0x0]  }
0x2: {  	s0 =	rddreg [dreg:$0x1];
	_ =	strace $0x8000004D;
	s3 =	stileid.u32  }
0x3: {  	s4 =	simm.s32 $0x3E;
	s1 =	sadd.s32 $0x1A800, s2;
	p0 =	sne.s32 s3, $0x0  }
0x4: {  	[sflag:s4] =	ssyncpa.u1 $0x0;
	s5 =	simm.s32 @!p0 $0x1C3E;
	s6 =	simm.s32 @!p0 $0x0  }
0x5: {  	[spmem:s6], [sflag:s5] =	dma.local @!p0 [hbm:s1], $0x9E00  }
0x6: {  	s5 =	simm.s32 @!p0 $0x3E  }
0x7: {  	_ =	swait.ge @!p0 [sflag:s5], $0x9E00  }
0x8: {  	[sflag:s5] =	ssyncset.done @!p0 $0x0  }
0x9: {  	s26 =	simm.s32 $0x1;
	[sflag:s5] =	ssyncadd.s32 @!p0 $0xFFFF6200  }
0xa: {  	s28 =	simm.s32 $0x2;
	s7 =	simm.s32 $0x53F0;
	[bflag:$0x0] =	sbarrier.arrive $0xFFFF  }
0xb: {  	s3 =	smul.u32 $0x9E, s3;
	s29 =	sadd.s32 $0x18400, s2;
	[sflag:s4] =	ssyncpa.u1 $0x1  }
0xc: {  	s30 =	sadd.s32 $0x18E00, s2;
	s2 =	simm.s32 $0x0;
	[sflag:s26] =	ssyncpa.u1 $0x0  }
0xd: {  	s5 =	sadd.s32 s29, s3;
	(ifvalue) =	ssetifvalue $0x4F000;
	[sflag:s28] =	ssyncpa.u1 $0x0  }
0xe: {  	[tilespmem:s7], [sflag:$0x2] =	stream.linear.gather [hbm4b:s5+s2], $0x4F0, $0x38;
	[tilespmem:$0x62C0] =	vst v63  }
0xf: {  	s31 =	sadd.s32 s30, s3;
	s3 =	simm.s32 $0x5DD0  }
0x10: {  	[tilespmem:s3], [sflag:$0x2] =	stream.linear.gather [hbm4b:s31+s2], $0x4F0, $0x38;
	[tilespmem:$0x62C0] =	vst v63  }
0x11: {  	_ =	swait.ge [sflag:s28], $0x9E0  }
0x12: {  	[sflag:s28] =	ssyncset.done $0x0  }
0x13: {  	[sflag:s28] =	ssyncadd.s32 $0xFFFFF620  }
0x14: {  	v0 =	vld.msk [tilespmem:s7+$0x0 ss:$0x1], $0xffff;
	_ =	sdelay $0x4  }
0x15: {  	v0 =	vmin.u32 v0, $0x4F000;
	_ =	sdelay $0x3  }
0x16: {  	vm0 =	vmmov $0xffff;
	s4 =	simm.s32 $0x0;
	s5 =	simm.s32 $0x5400  }
0x17: {  	[spmem:s2] =	stream.indirect_vreg.scatter.add.s32 [tilespmem:s3], [sflag:$0x1], $0x1, v0, vm0, $0x4038;
	[tilespmem:$0x62C0] =	vst v63  }
.LBB2_1:
0x18: {  	v0 =	vld.msk [tilespmem:s5+$0x0 ss:$0x1], $0xffff;
	s4 =	sadd.s32 $0x10, s4  }
0x19: {  	p1 =	slt.u32 s4, $0x4E0;
	_ =	sdelay $0x4  }
0x1a: {  	v0 =	vmin.u32 v0, $0x4F000  }
.Ltmp0:
0x1b: {  	(pc) =	sbr.rel @p1 .LBB2_1-.Ltmp0, $3  }
0x1c: {  	_ =	sdelay $0x1  }
0x1d: {  	s5 =	sadd.s32 $0x10, s5;
	s3 =	sadd.s32 $0x10, s3  }
0x1e: {  	[spmem:s2] =	stream.indirect_vreg.scatter.add.s32 [tilespmem:s3], [sflag:$0x1], $0x1, v0, vm0, $0x4038;
	[tilespmem:$0x62C0] =	vst v63  }
0x1f: {  	s2 =	simm.s32 $0x1  }
0x20: {  	_ =	swait.ge [sflag:s2], $0x4F0  }
0x21: {  	[sflag:s2] =	ssyncset.done $0x0  }
0x22: {  	[sflag:s2] =	ssyncadd.s32 $0xFFFFFB10  }
0x23: {  	_ =	sfence.sel $0x180000  }
0x24: {  	s3 =	simm.s32 $0x2;
	[bflag:$0x0] =	sbarrier.arrive $0xFFFF  }
0x25: {  	[sflag:s3] =	ssyncpa.u1 $0x1  }
0x26: {  	[sflag:s2] =	ssyncpa.u1 $0x1  }
0x27: {  	_ =	sfence.stream.spmem  }
0x28: {  	s31 =	simm.s32 $0x3D;
	[bflag:$0x0] =	sbarrier.arrive $0xFFFF  }
0x29: {  	s2 =	simm.s32 @p0 $0x3D;
	[sflag:s31] =	ssyncpa.u1 $0x0  }
0x2a: {  	[sflag:s2] =	ssyncpa.u1 @p0 $0x1  }
0x2b: {  	[bflag:$0x0] =	sbarrier.arrive @p0 $0xFFFF  }
0x2c: {  	_ =	strace @p0 $0x9000004D  }
0x2d: {  	s3 =	simm.s32 @!p0 $0x1C3D;
	s2 =	simm.s32 @!p0 $0x0;
	[bflag:$0x2] =	sbarrier.arrive @p0 $0xFFFF  }
0x2e: {  	[hbm:s1], [sflag:s3] =	dma.local @!p0 [spmem:s2], $0x9E00  }
0x2f: {  	s1 =	simm.s32 @!p0 $0x3D  }
0x30: {  	_ =	swait.ge @!p0 [sflag:s1], $0x9E00  }
0x31: {  	[sflag:s1] =	ssyncset.done @!p0 $0x0  }
0x32: {  	[sflag:s1] =	ssyncadd.s32 @!p0 $0xFFFF6200  }
0x33: {  	[sflag:s1] =	ssyncpa.u1 @!p0 $0x1  }
0x34: {  	[bflag:$0x0] =	sbarrier.arrive @!p0 $0xFFFF  }
0x35: {  	_ =	strace @!p0 $0x9000004D  }
0x36: {  	s0 =	sadd.s32 @!p0 $0x100000, s0;
	[bflag:$0x2] =	sbarrier.arrive @!p0 $0xFFFF  }
0x37: {  	[sflag:s0] =	ssyncadd.tile.s32 @!p0 $0x1;
	_ =	shalt  }
.Lfunc_end2:
_tile_overlayer_lowered:
.L_overlay_start_2:
0x38: {  	(tag) =	ssettag $0x2  }
0x39: {  	s0 =	rddreg [dreg:$0x0];
	s2 =	stileid.u32  }
0x3a: {  	s1 =	rddreg [dreg:$0x1];
	p0 =	sne.s32 s2, $0x0  }
0x3b: {  	s3 =	rddreg [dreg:$0x2];
	[bflag:$0x3] =	sbarrier.arrive $0xFFFF;
	s2 =	simm.s32 @!p0 $0x1C01  }
0x3c: {  	[timem:s3], [sflag:s2] =	dma.local @!p0 [hbm:s0], s1  }
0x3d: {  	s0 =	simm.s32 @!p0 $0x1  }
0x3e: {  	_ =	swait.ge @!p0 [sflag:s0], s1  }
0x3f: {  	s1 =	ssub.s32 @!p0 $0x0, s1;
	[sflag:s0] =	ssyncset.done @!p0 $0x0  }
0x40: {  	[sflag:s0] =	ssyncadd.s32 @!p0 s1  }
0x41: {  	[bflag:$0x3] =	sbarrier.arrive $0xFFFF  }
0x42: {  	_ =	shalt  }

// kernel: scatter_offload_async_start
scs
__scs_entry_jumppad:
0x0: {  	(pc) =	sbr.rel $0x88, $3  }
0x1: {  	(tag) =	ssettag $0x0;
	lr =	simm.s32 $0x1  }
0x2: {  	[smem:$0x3F87] =	sst lr;
	_ =	strace $0xD0000000  }
0x3: {  	_ = 	snop  }
0x4: {  	_ = 	snop  }
0x5: {  	_ = 	snop  }
0x6: {  	_ = 	snop  }
0x7: {  	_ = 	snop  }
__scs_overlays_trampoline_lowered:
0x8: {  	[smem:$0x3F96] =	sst s0  }
0x9: {  	[smem:$0x3F97] =	sst s1  }
0xa: {  	[smem:$0x3F98] =	sst s2  }
0xb: {  	[smem:$0x3F99] =	sst s3  }
0xc: {  	[smem:$0x3F9A] =	sst s4  }
0xd: {  	[smem:$0x3F9B] =	sst s5  }
0xe: {  	[smem:$0x3F9C] =	sst s6  }
0xf: {  	[smem:$0x3F9D] =	sst s7  }
0x10: {  	[smem:$0x3F9E] =	sst s8  }
0x11: {  	[smem:$0x3F9F] =	sst s9;
	s0 =	simm.s32 @!p0 $0x0  }
0x12: {  	s1 =	sld [smem:$0x3F85];
	s0 =	simm.s32 @p0 $0x1  }
0x13: {  	[smem:$0x3FA0] =	sst s0;
	s0 =	simm.s32 @!p1 $0x0  }
0x14: {  	s2 =	sld [smem:$0x3F84];
	s0 =	simm.s32 @p1 $0x1  }
0x15: {  	[smem:$0x3FA1] =	sst s0;
	s0 =	simm.s32 @!p2 $0x0  }
0x16: {  	s3 =	sld [smem:$0x3FDB];
	s0 =	simm.s32 @p2 $0x1  }
0x17: {  	s4 =	simm.s32 $0x1BF5;
	[smem:$0x3FA3] =	sst s0  }
0x18: {  	s0 =	sld [smem:$0x3F86];
	_ =	swait.ge [sflag:s4], $0x0  }
0x19: {  	s7 =	sld [smem:$0x3F87]  }
0x1a: {  	s8 =	sadd.s32 $0xFFFFE003, lr  }
0x1b: {  	s9 =	sadd.s32 $0xFFFFFEF7, lr;
	s5 =	simm.s32 $0xFFFFFFFF;
	p2 =	slt.u32 s8, $0xFFFFF086  }
0x1c: {  	p1 =	slt.u32 s9, $0xF7A;
	s5 =	simm.s32 @!p2 $0x0  }
0x1d: {  	s5 =	simm.s32 @p1 $0x1;
	p0 =	seq.s32 s7, s2  }
0x1e: {  	s7 =	smul.u32 @!p0 $0xF7A, s2;
	p2 =	seq.s32 @!p0 s5, $0x0  }
0x1f: {  	s9 =	smul.u32 $0xF7A, s1;
	s8 =	simm.s32 @!p0 $0x1BF5;
	p2 =	por !p2, p0  }
0x20: {  	[sflag:s8] =	ssyncset.s32 @!p0 $0xFFFFF086;
	s6 =	sadd.s32 @!p0 s3, s7;
	s7 =	simm.s32 @!p0 $0x108  }
0x21: {  	s3 =	sadd.s32 s3, s9;
	s6 =	sadd.s32 @!p0 $0x88, s6;
	s7 =	simm.s32 @p2 $0x1082  }
0x22: {  	[simem:s7], [sflag:s8] =	dma.local @!p0 [hbm:s6], $0xF7A  }
0x23: {  	s9 =	sor.u32 $0xD0000000, s2;
	s6 =	simm.s32 $0x108;
	_ =	swait.ge @!p0 [sflag:s8], $0x0  }
0x24: {  	s3 =	sadd.s32 $0x88, s3;
	s6 =	simm.s32 @!p1 $0x1082;
	[sflag:s4] =	ssyncset.s32 $0xFFFFF086  }
0x25: {  	[simem:s6], [sflag:s4] =	dma.local [hbm:s3], $0xF7A  }
0x26: {  	[smem:$0x3F87] =	sst s1;
	(tag) =	ssettag s2;
	_ =	strace s9  }
0x27: {  	s1 =	sld [smem:$0x3F97]  }
0x28: {  	s2 =	sld [smem:$0x3F98]  }
0x29: {  	s4 =	sld [smem:$0x3F9A]  }
0x2a: {  	p0 =	seq.s32 s5, $0x0;
	s5 =	sld [smem:$0x3F9B]  }
0x2b: {  	s6 =	sld [smem:$0x3F9C]  }
0x2c: {  	s7 =	sld [smem:$0x3F9D]  }
0x2d: {  	s3 =	simm.s32 $0x108;
	s8 =	sld [smem:$0x3F9E]  }
0x2e: {  	s3 =	simm.s32 @!p0 $0x1082;
	s9 =	sld [smem:$0x3F9F]  }
0x2f: {  	lr =	sadd.s32 s0, s3;
	s0 =	sld [smem:$0x3F96]  }
0x30: {  	s3 =	sld [smem:$0x3F99]  }
0x31: {  	[smem:$0x3FA2] =	sst s10  }
0x32: {  	s10 =	sld [smem:$0x3FA0];
	_ =	sdelay $0x3  }
0x33: {  	p0 =	seq.s32 s10, $0x1;
	s10 =	sld [smem:$0x3FA2];
	_ =	sdelay $0x3  }
0x34: {  	[smem:$0x3FA2] =	sst s10  }
0x35: {  	s10 =	sld [smem:$0x3FA1];
	_ =	sdelay $0x3  }
0x36: {  	p1 =	seq.s32 s10, $0x1;
	s10 =	sld [smem:$0x3FA2];
	_ =	sdelay $0x3  }
0x37: {  	[smem:$0x3FA2] =	sst s10  }
0x38: {  	s10 =	sld [smem:$0x3FA3]  }
0x39: {  	_ = 	snop;
	(pc) =	sbr.ind lr, $3  }
0x3a: {  	_ = 	snop  }
0x3b: {  	_ = 	snop  }
0x3c: {  	p2 =	seq.s32 s10, $0x1;
	s10 =	sld [smem:$0x3FA2]  }
0x3d: {  	_ =	shalt  }
0x3e: {  	_ =	shalt  }
0x3f: {  	_ =	shalt  }
0x40: {  	_ =	shalt  }
0x41: {  	_ =	shalt  }
0x42: {  	_ =	shalt  }
0x43: {  	_ =	shalt  }
0x44: {  	_ =	shalt  }
0x45: {  	_ =	shalt  }
0x46: {  	_ =	shalt  }
0x47: {  	_ =	shalt  }
0x48: {  	_ =	shalt  }
0x49: {  	_ =	shalt  }
0x4a: {  	_ =	shalt  }
0x4b: {  	_ =	shalt  }
0x4c: {  	_ =	shalt  }
0x4d: {  	_ =	shalt  }
0x4e: {  	_ =	shalt  }
0x4f: {  	_ =	shalt  }
0x50: {  	_ =	shalt  }
0x51: {  	_ =	shalt  }
0x52: {  	_ =	shalt  }
0x53: {  	_ =	shalt  }
0x54: {  	_ =	shalt  }
0x55: {  	_ =	shalt  }
0x56: {  	_ =	shalt  }
0x57: {  	_ =	shalt  }
0x58: {  	_ =	shalt  }
0x59: {  	_ =	shalt  }
0x5a: {  	_ =	shalt  }
0x5b: {  	_ =	shalt  }
0x5c: {  	_ =	shalt  }
0x5d: {  	_ =	shalt  }
0x5e: {  	_ =	shalt  }
0x5f: {  	_ =	shalt  }
0x60: {  	_ =	shalt  }
0x61: {  	_ =	shalt  }
0x62: {  	_ =	shalt  }
0x63: {  	_ =	shalt  }
0x64: {  	_ =	shalt  }
0x65: {  	_ =	shalt  }
0x66: {  	_ =	shalt  }
0x67: {  	_ =	shalt  }
0x68: {  	_ =	shalt  }
0x69: {  	_ =	shalt  }
0x6a: {  	_ =	shalt  }
0x6b: {  	_ =	shalt  }
0x6c: {  	_ =	shalt  }
0x6d: {  	_ =	shalt  }
0x6e: {  	_ =	shalt  }
0x6f: {  	_ =	shalt  }
0x70: {  	_ =	shalt  }
0x71: {  	_ =	shalt  }
0x72: {  	_ =	shalt  }
0x73: {  	_ =	shalt  }
0x74: {  	_ =	shalt  }
0x75: {  	_ =	shalt  }
0x76: {  	_ =	shalt  }
0x77: {  	_ =	shalt  }
0x78: {  	_ =	shalt  }
0x79: {  	_ =	shalt  }
0x7a: {  	_ =	shalt  }
0x7b: {  	_ =	shalt  }
0x7c: {  	_ =	shalt  }
0x7d: {  	_ =	shalt  }
0x7e: {  	_ =	shalt  }
0x7f: {  	_ =	shalt  }
0x80: {  	_ =	shalt  }
0x81: {  	_ =	shalt  }
0x82: {  	_ =	shalt  }
0x83: {  	_ =	shalt  }
0x84: {  	_ =	shalt  }
0x85: {  	_ =	shalt  }
0x86: {  	_ =	shalt  }
0x87: {  	_ =	shalt  }
.Lfunc_end0:
.L_simem_size_0:
called_computation_lowered:
.L_overlay_start_0:
0x88: {  	s0 =	sld [smem:$0x3FD9]  }
0x89: {  	s1 =	sld [smem:$0x3FFE];
	_ =	sdelay $0x3  }
0x8a: {  	s0 =	sadd.s32 s1, s0  }
0x8b: {  	[smem:$0x3FAE] =	sst s0  }
0x8c: {  	_ = 	snop  }
0x8d: {  	(tm) =	ssettm $0x1  }
0x8e: {  	s14 =	sld [smem:$0x3FFB];
	_ =	sdelay $0x3  }
0x8f: {  	_ =	strace s14  }
0x90: {  	s0 =	sld [smem:$0x3FFC];
	_ =	sdelay $0x3  }
0x91: {  	_ =	strace s0  }
0x92: {  	s0 =	sld [smem:$0x3FFD];
	_ =	sdelay $0x3  }
0x93: {  	_ =	strace s0  }
0x94: {  	_ =	strace $0x8FFFFFFF  }
0x95: {  	s15 =	sld [smem:$0x3FDB];
	_ =	sdelay $0x1  }
0x96: {  	s16 =	simm.s32 $_scs_section_size  }
0x97: {  	s2 =	simm.s32 $_size__tile_overlayer_lowered;
	s3 =	simm.s32 $_tile_overlayer_lowered  }
0x98: {  	s4 =	simm.s32 $0x1BFF;
	s17 =	sshll.u32 s3, $0x1;
	s1 =	sadd.s32 s16, s15  }
0x99: {  	s18 =	simm.s32 $0x0;
	s2 =	sshll.u32 s2, $0x1;
	s3 =	sadd.s32 s17, s1  }
0x9a: {  	[timem:s18], [sflag:s4] =	dma.local [hbm:s3], s2  }
0x9b: {  	_ =	swait.ge [sflag:s4], s2  }
0x9c: {  	s2 =	ssub.s32 $0x0, s2;
	[sflag:s4] =	ssyncset.done $0x0  }
0x9d: {  	[sflag:s4] =	ssyncadd.s32 s2;
	_ =	sdelay $0x1  }
0x9e: {  	s19 =	simm.s32 $0x1B8B  }
0x9f: {  	_ =	swait.ge [sflag:s19], $0x1  }
0xa0: {  	[sflag:s19] =	ssyncset.done $0x0  }
0xa1: {  	s21 =	simm.s32 $0x1B8E;
	s20 =	sld [smem:$0x3FFE];
	[sflag:s19] =	ssyncadd.s32 $0xFFFFFFFF  }
0xa2: {  	s22 =	simm.s32 $execute0_lowered;
	[smem:$0x3FD2] =	sst s21  }
0xa3: {  	s3 =	sshll.u32 s22, $0x1;
	_ =	strace $0x80000046;
	[dreg:$0x1] =	wrdreg $0xFFFFFFFF  }
0xa4: {  	s23 =	simm.s32 $_size_execute0_lowered;
	s3 =	sadd.s32 s1, s3;
	[dreg:$0x0] =	wrdreg $0x0  }
0xa5: {  	s4 =	sshll.u32 s23, $0x1;
	[dreg:$0x2] =	wrdreg s3  }
0xa6: {  	[dreg:$0x3] =	wrdreg s4  }
0xa7: {  	[dreg:$0x4] =	wrdreg $0xC0  }
0xa8: {  	s24 =	simm.s32 $execute1_lowered;
	_ =	task [dreg:s18], $0x5FFFF  }
0xa9: {  	s3 =	sshll.u32 s24, $0x1;
	[dreg:$0x1] =	wrdreg $0xFFFFFFFF  }
0xaa: {  	s1 =	sadd.s32 s1, s3;
	[dreg:$0x0] =	wrdreg $0x60  }
0xab: {  	[dreg:$0x2] =	wrdreg s1  }
0xac: {  	[dreg:$0x3] =	wrdreg s20  }
0xad: {  	[dreg:$0x4] =	wrdreg $0x9  }
0xae: {  	_ =	task.clear_ibuf [dreg:s18], $0x5FFFF;
	_ =	strace $0x90000046  }
0xaf: {  	s25 =	simm.s32 $0x9;
	_ =	strace $0x80000048  }
0xb0: {  	_ =	swait.ge [sflag:s25], $0x1  }
0xb1: {  	[sflag:s25] =	ssyncadd.s32 $0xFFFFFFFF  }
0xb2: {  	_ =	strace $0x90000048  }
0xb3: {  	_ =	strace $0x80000049;
	[dreg:$0x1] =	wrdreg $0xFFFFFFFF  }
0xb4: {  	[dreg:$0x0] =	wrdreg $0x2030  }
0xb5: {  	[dreg:$0x2] =	wrdreg s20  }
0xb6: {  	[dreg:$0x3] =	wrdreg $0xA  }
0xb7: {  	_ =	task.clear_ibuf [dreg:s18], $0x4FFFF;
	_ =	strace $0x90000049  }
0xb8: {  	s26 =	simm.s32 $0xA;
	_ =	strace $0x8000004B  }
0xb9: {  	_ =	swait.ge [sflag:s26], $0x1  }
0xba: {  	[sflag:s26] =	ssyncadd.s32 $0xFFFFFFFF  }
0xbb: {  	_ =	strace $0x9000004B  }
0xbc: {  	_ =	sfence  }
0xbd: {  	s28 =	sld [smem:$0x0];
	_ =	sdelay $0x1  }
0xbe: {  	s29 =	srdreg.scid  }
0xbf: {  	s30 =	sshll.u32 s29, $0xD;
	s31 =	sshrl.u32 s29, $0x2  }
0xc0: {  	s2 =	sand.u32 $0x1, s29;
	s3 =	sand.u32 $0x4000, s30;
	s1 =	sadd.s32 s31, s28  }
0xc1: {  	s2 =	sor.u32 s3, s2;
	s1 =	sshll.u32 s1, $0x11  }
0xc2: {  	s1 =	sor.u32 s1, s2  }
0xc3: {  	s1 =	sadd.s32 $0x8F2B, s1  }
0xc4: {  	[sflag:s1] =	ssyncadd.remote.s32 $0x1  }
0xc5: {  	_ =	sfence.sel $0xFFFF  }
0xc6: {  	[dreg:$0x0] =	wrdreg $0xFFFFFFFF;
	(pc) =	sbr.abs _section_cstart, $3  }
0xc7: {  	[dreg:$0x1] =	wrdreg $0xFFFFFFFF  }
0xc8: {  	_ =	task.clear_ibuf [dreg:s18], $0x2FFFF;
	_ =	strace $0x9FFFFFFF  }
0xc9: {  	(tm) =	ssettm $0x7FFFFFFF  }
tec
execute0_lowered:
.L_overlay_start_1:
0x0: {  	(tag) =	ssettag $0x1  }
0x1: {  	s3 =	rddreg [dreg:$0x0];
	s4 =	stileid.u32  }
0x2: {  	s5 =	rddreg [dreg:$0x1];
	s2 =	smul.u32 $0x13C0, s4  }
0x3: {  	s0 =	rddreg [dreg:$0x2];
	[bflag:$0x3] =	sbarrier.arrive $0xFFFF;
	s1 =	simm.s32 $_size_execute1_lowered  }
0x4: {  	s1 =	sshll.u32 s1, $0x1;
	p0 =	sne.s32 s4, $0x0;
	s6 =	ssub.s32 $0x4F000, s2  }
0x5: {  	s4 =	simm.s32 @!p0 $0x1C3F;
	s7 =	simm.s32 @!p0 $0x4060;
	s8 =	smulhi.u32 $0x19EC9, s6  }
0x6: {  	[timem:s7], [sflag:s4] =	dma.local @!p0 [hbm:s3], s1  }
0x7: {  	s30 =	sshrl.u32 s8, $0x1  }
0x8: {  	s31 =	simm.s32 $0x2;
	s8 =	smul.u32 $0x13C00, s30  }
.Ltmp0:
0x9: {  	s10 =	simm.s32 $0x0;
	s9 =	simm.s32 $0x0;
	(pc) =	sbr.rel .LBB2_1-.Ltmp0, $4  }
0xa: {  	s3 =	sadd.s32 $0x1A800, s5;
	p1 =	sne.s32 s6, s8;
	s6 =	simm.s32 $0x1  }
0xb: {  	s4 =	simm.s32 $0x1;
	_ =	strace $0x80000047;
	s6 =	simm.s32 @!p1 $0x0  }
0xc: {  	s5 =	sadd.s32 $0x24600, s5;
	[sflag:s4] =	ssyncpa.u1 $0x0;
	s6 =	sadd.s32 s6, s30  }
0xd: {  	[sflag:s31] =	ssyncpa.u1 $0x0;
	s8 =	smov.u32 s2;
	s7 =	sadd.s32 $0x1, s6  }
.LBB2_7:
0xe: {  	s12 =	sadd.s32 $0x13C00, s8  }
0xf: {  	p2 =	sgt.s32 s12, $0x4EFFF  }
0x10: {  	s12 =	smov.u32 @p2 s2;
	p2 =	sne.s32 s9, s7  }
.Ltmp1:
0x11: {  	p1 =	slt.u32 s9, $0x2;
	(pc) =	sbr.rel @!p2 .LBB2_8-.Ltmp1, $4  }
0x12: {  	s11 =	simm.s32 @!p1 $0x2  }
0x13: {  	_ =	swait.ge @!p1 [sflag:s11], $0x13C0  }
0x14: {  	s13 =	sadd.s32 $0x1, s9;
	s10 =	smov.u32 s8;
	[sflag:s11] =	ssyncset.done @!p1 $0x0  }
0x15: {  	s9 =	smov.u32 s13;
	s8 =	smov.u32 s12;
	[sflag:s11] =	ssyncadd.s32 @!p1 $0xFFFFEC40  }
.LBB2_1:
0x16: {  	p1 =	sge.u32 s9, s6  }
0x17: {  	s11 =	sxor.u32 @!p1 $0xFFFFFFFF, s9  }
0x18: {  	s11 =	sand.u32 @!p1 $0x1, s11  }
0x19: {  	s11 =	smul.u32 @!p1 $0x4F00, s11  }
0x1a: {  	s31 =	sadd.s32 $0xFFFFFFFF, s9;
	s12 =	sshrl.u32 @!p1 s8, $0x3  }
0x1b: {  	s13 =	sand.u32 @!p1 $0x7, s8;
	s12 =	sadd.s32 @!p1 s3, s12;
	s11 =	sshrl.u32 @!p1 s11, $0x2  }
0x1c: {  	[tilespmem:s11], [sflag:$0x1] =	stream.linear.gather @!p1 [hbm4b:s12+s13], $0x13C0, $0x38;
	[tilespmem:$0x4F00] =	vst v63  }
0x1d: {  	p1 =	sge.u32 s31, s6  }
.Ltmp2:
0x1e: {  	_ = 	snop;
	(pc) =	sbr.rel @p1 .LBB2_7-.Ltmp2, $1  }
0x1f: {  	_ =	sdelay $0x3  }
0x20: {  	s11 =	sand.u32 $0x1, s9  }
0x21: {  	_ =	swait.ge [sflag:s4], $0x13C0;
	s13 =	simm.s32 $0x13C0;
	p1 =	seq.s32 s11, $0x1  }
0x22: {  	[sflag:s4] =	ssyncset.done $0x0;
	s13 =	simm.s32 @!p1 $0x0  }
0x23: {  	[sflag:s4] =	ssyncadd.s32 $0xFFFFEC40;
	s15 =	sadd.s32 $0x80, s13  }
0x24: {  	v0 =	vld [tilespmem:s15+$0x70]  }
0x25: {  	v1 =	vld [tilespmem:s15+$0xFFFFFF90]  }
0x26: {  	v2 =	vld [tilespmem:s15+$0xFFFFFFA0]  }
0x27: {  	v3 =	vld [tilespmem:s15+$0xFFFFFFB0]  }
0x28: {  	s11 =	sor.u32 $0x2800, s13;
	v4 =	vld [tilespmem:s15+$0xFFFFFFC0]  }
0x29: {  	v5 =	vld [tilespmem:s15+$0xFFFFFFD0];
	[tilespmem:s11+$0x70] =	vst v0  }
0x2a: {  	[tilespmem:s11+$0xFFFFFF90] =	vst v1;
	v0 =	vld [tilespmem:s15+$0xFFFFFFE0]  }
0x2b: {  	[tilespmem:s11+$0xFFFFFFA0] =	vst v2;
	v1 =	vld [tilespmem:s15+$0xFFFFFFF0]  }
0x2c: {  	[tilespmem:s11+$0xFFFFFFB0] =	vst v3;
	v2 =	vld [tilespmem:s15+$0x0]  }
0x2d: {  	[tilespmem:s11+$0xFFFFFFC0] =	vst v4;
	v3 =	vld [tilespmem:s15+$0x10]  }
0x2e: {  	[tilespmem:s11+$0xFFFFFFD0] =	vst v5;
	v5 =	vld [tilespmem:s15+$0x20]  }
0x2f: {  	[tilespmem:s11+$0xFFFFFFE0] =	vst v0;
	v0 =	vld [tilespmem:s15+$0x30]  }
0x30: {  	[tilespmem:s11+$0xFFFFFFF0] =	vst v1;
	v1 =	vld [tilespmem:s15+$0x40]  }
0x31: {  	[tilespmem:s11+$0x0] =	vst v2;
	v2 =	vld [tilespmem:s15+$0x50]  }
0x32: {  	s14 =	simm.s32 $0x0;
	[tilespmem:s11+$0x10] =	vst v3;
	v3 =	vld [tilespmem:s15+$0x60]  }
0x33: {  	s12 =	sadd.s32 $0x2780, s13;
	s13 =	sshll.u32 s13, $0x2;
	v4 =	vld [tilespmem:s15+$0xFFFFFF80];
	[tilespmem:s11+$0x20] =	vst v5;
	s15 =	sadd.s32 $0x100, s15  }
.LBB2_3:
0x34: {  	v5 =	vld [tilespmem:s15+$0x70];
	s14 =	sadd.s32 $0x100, s14;
	[tilespmem:s11+$0x30] =	vst v0  }
0x35: {  	v0 =	vld [tilespmem:s15+$0xFFFFFF90];
	p1 =	slt.u32 s14, $0x1200;
	[tilespmem:s11+$0x40] =	vst v1  }
0x36: {  	v1 =	vld [tilespmem:s15+$0xFFFFFFA0];
	[tilespmem:s11+$0x50] =	vst v2  }
0x37: {  	v2 =	vld [tilespmem:s15+$0xFFFFFFB0];
	[tilespmem:s11+$0x60] =	vst v3  }
0x38: {  	v3 =	vld [tilespmem:s15+$0xFFFFFFC0];
	[tilespmem:s11+$0xFFFFFF80] =	vst v4;
	s11 =	sadd.s32 $0x100, s11  }
0x39: {  	v4 =	vld [tilespmem:s15+$0xFFFFFFD0];
	[tilespmem:s11+$0x70] =	vst v5  }
0x3a: {  	[tilespmem:s11+$0xFFFFFF90] =	vst v0;
	v0 =	vld [tilespmem:s15+$0xFFFFFFE0]  }
0x3b: {  	[tilespmem:s11+$0xFFFFFFA0] =	vst v1;
	v1 =	vld [tilespmem:s15+$0xFFFFFFF0]  }
0x3c: {  	[tilespmem:s11+$0xFFFFFFB0] =	vst v2;
	v2 =	vld [tilespmem:s15+$0x0]  }
0x3d: {  	[tilespmem:s11+$0xFFFFFFC0] =	vst v3;
	v3 =	vld [tilespmem:s15+$0x10]  }
0x3e: {  	[tilespmem:s11+$0xFFFFFFD0] =	vst v4;
	v5 =	vld [tilespmem:s15+$0x20]  }
.Ltmp3:
0x3f: {  	[tilespmem:s11+$0xFFFFFFE0] =	vst v0;
	v0 =	vld [tilespmem:s15+$0x30];
	(pc) =	sbr.rel @p1 .LBB2_3-.Ltmp3, $4  }
0x40: {  	[tilespmem:s11+$0xFFFFFFF0] =	vst v1;
	v1 =	vld [tilespmem:s15+$0x40]  }
0x41: {  	[tilespmem:s11+$0x0] =	vst v2;
	v2 =	vld [tilespmem:s15+$0x50]  }
0x42: {  	[tilespmem:s11+$0x10] =	vst v3;
	v3 =	vld [tilespmem:s15+$0x60]  }
0x43: {  	v4 =	vld [tilespmem:s15+$0xFFFFFF80];
	[tilespmem:s11+$0x20] =	vst v5;
	s15 =	sadd.s32 $0x100, s15  }
0x44: {  	[tilespmem:s11+$0x30] =	vst v0  }
0x45: {  	[tilespmem:s11+$0x40] =	vst v1  }
0x46: {  	[tilespmem:s11+$0x50] =	vst v2  }
0x47: {  	s13 =	sshrl.u32 s13, $0x2;
	[tilespmem:s11+$0x60] =	vst v3  }
0x48: {  	s14 =	simm.s32 $0x12F0;
	[tilespmem:s11+$0xFFFFFF80] =	vst v4;
	s11 =	sadd.s32 $0x3A80, s13;
	s13 =	sadd.s32 $0x1300, s13  }
.LBB2_5:
0x49: {  	s14 =	sadd.s32 $0x10, s14  }
0x4a: {  	v0 =	vld [tilespmem:s13+$0x0];
	p1 =	slt.u32 s14, $0x13B0  }
.Ltmp4:
0x4b: {  	_ = 	snop;
	(pc) =	sbr.rel @p1 .LBB2_5-.Ltmp4, $2  }
0x4c: {  	_ =	sdelay $0x2  }
0x4d: {  	s13 =	sadd.s32 $0x10, s13;
	[tilespmem:s11+$0x0] =	vst v0;
	s11 =	sadd.s32 $0x10, s11  }
.Ltmp5:
0x4e: {  	(pc) =	sbr.rel .LBB2_7-.Ltmp5, $4  }
0x4f: {  	_ = 	snop  }
0x50: {  	s11 =	sshrl.u32 s10, $0x3  }
0x51: {  	s31 =	sand.u32 $0x7, s10;
	s11 =	sadd.s32 s5, s11  }
0x52: {  	[hbm4b:s11+s31] =	stream.linear.scatter [tilespmem:s12], [sflag:$0x2], $0x13C0, $0x38;
	[tilespmem:$0x4F00] =	vst v63  }
.LBB2_8:
0x53: {  	_ =	sfence.sel $0x180000  }
0x54: {  	s2 =	simm.s32 $0x1;
	[bflag:$0x0] =	sbarrier.arrive $0xFFFF  }
0x55: {  	s31 =	simm.s32 $0x2;
	[sflag:s2] =	ssyncpa.u1 $0x1  }
0x56: {  	[sflag:s31] =	ssyncpa.u1 $0x1  }
0x57: {  	_ =	strace $0x90000047  }
0x58: {  	s0 =	sadd.s32 @!p0 $0x100000, s0;
	[bflag:$0x2] =	sbarrier.arrive $0xFFFF  }
0x59: {  	[sflag:s0] =	ssyncadd.tile.s32 @!p0 $0x1;
	s0 =	simm.s32 @!p0 $0x3F  }
0x5a: {  	_ =	swait.ge @!p0 [sflag:s0], s1  }
0x5b: {  	s1 =	ssub.s32 @!p0 $0x0, s1;
	[sflag:s0] =	ssyncset.done @!p0 $0x0  }
0x5c: {  	[sflag:s0] =	ssyncadd.s32 @!p0 s1  }
0x5d: {  	[bflag:$0x3] =	sbarrier.arrive $0xFFFF  }
0x5e: {  	_ =	shalt  }
.Lfunc_end2:
execute1_lowered:
.L_overlay_start_2:
0x5f: {  	(tag) =	ssettag $0x2  }
0x60: {  	s2 =	rddreg [dreg:$0x0]  }
0x61: {  	s0 =	rddreg [dreg:$0x1];
	_ =	strace $0x8000004A;
	s3 =	stileid.u32  }
0x62: {  	s4 =	simm.s32 $0x3E;
	s1 =	sadd.s32 $0x24600, s2;
	p0 =	sne.s32 s3, $0x0  }
0x63: {  	[sflag:s4] =	ssyncpa.u1 $0x0;
	s5 =	simm.s32 @!p0 $0x1C3E;
	s6 =	simm.s32 @!p0 $0x0  }
0x64: {  	[spmem:s6], [sflag:s5] =	dma.local @!p0 [hbm:s1], $0x9E00  }
0x65: {  	s5 =	simm.s32 @!p0 $0x3E  }
0x66: {  	_ =	swait.ge @!p0 [sflag:s5], $0x9E00  }
0x67: {  	[sflag:s5] =	ssyncset.done @!p0 $0x0  }
0x68: {  	s26 =	simm.s32 $0x1;
	[sflag:s5] =	ssyncadd.s32 @!p0 $0xFFFF6200  }
0x69: {  	s28 =	simm.s32 $0x2;
	s7 =	simm.s32 $0x53F0;
	[bflag:$0x0] =	sbarrier.arrive $0xFFFF  }
0x6a: {  	s3 =	smul.u32 $0x9E, s3;
	s29 =	sadd.s32 $0x18400, s2;
	[sflag:s4] =	ssyncpa.u1 $0x1  }
0x6b: {  	s30 =	sadd.s32 $0xA00, s2;
	s2 =	simm.s32 $0x0;
	[sflag:s26] =	ssyncpa.u1 $0x0  }
0x6c: {  	s5 =	sadd.s32 s29, s3;
	(ifvalue) =	ssetifvalue $0x4F000;
	[sflag:s28] =	ssyncpa.u1 $0x0  }
0x6d: {  	[tilespmem:s7], [sflag:$0x2] =	stream.linear.gather [hbm4b:s5+s2], $0x4F0, $0x38;
	[tilespmem:$0x62C0] =	vst v63  }
0x6e: {  	s31 =	sadd.s32 s30, s3;
	s3 =	simm.s32 $0x5DD0  }
0x6f: {  	[tilespmem:s3], [sflag:$0x2] =	stream.linear.gather [hbm4b:s31+s2], $0x4F0, $0x38;
	[tilespmem:$0x62C0] =	vst v63  }
0x70: {  	_ =	swait.ge [sflag:s28], $0x9E0  }
0x71: {  	[sflag:s28] =	ssyncset.done $0x0  }
0x72: {  	[sflag:s28] =	ssyncadd.s32 $0xFFFFF620  }
0x73: {  	v0 =	vld.msk [tilespmem:s7+$0x0 ss:$0x1], $0xffff;
	_ =	sdelay $0x4  }
0x74: {  	v0 =	vmin.u32 v0, $0x4F000;
	_ =	sdelay $0x3  }
0x75: {  	vm0 =	vmmov $0xffff;
	s4 =	simm.s32 $0x0;
	s5 =	simm.s32 $0x5400  }
0x76: {  	[spmem:s2] =	stream.indirect_vreg.scatter.add.s32 [tilespmem:s3], [sflag:$0x1], $0x1, v0, vm0, $0x4038;
	[tilespmem:$0x62C0] =	vst v63  }
.LBB3_1:
0x77: {  	v0 =	vld.msk [tilespmem:s5+$0x0 ss:$0x1], $0xffff;
	s4 =	sadd.s32 $0x10, s4  }
0x78: {  	p1 =	slt.u32 s4, $0x4E0;
	_ =	sdelay $0x4  }
0x79: {  	v0 =	vmin.u32 v0, $0x4F000  }
.Ltmp6:
0x7a: {  	(pc) =	sbr.rel @p1 .LBB3_1-.Ltmp6, $3  }
0x7b: {  	_ =	sdelay $0x1  }
0x7c: {  	s5 =	sadd.s32 $0x10, s5;
	s3 =	sadd.s32 $0x10, s3  }
0x7d: {  	[spmem:s2] =	stream.indirect_vreg.scatter.add.s32 [tilespmem:s3], [sflag:$0x1], $0x1, v0, vm0, $0x4038;
	[tilespmem:$0x62C0] =	vst v63  }
0x7e: {  	s2 =	simm.s32 $0x1  }
0x7f: {  	_ =	swait.ge [sflag:s2], $0x4F0  }
0x80: {  	[sflag:s2] =	ssyncset.done $0x0  }
0x81: {  	[sflag:s2] =	ssyncadd.s32 $0xFFFFFB10  }
0x82: {  	_ =	sfence.sel $0x180000  }
0x83: {  	s3 =	simm.s32 $0x2;
	[bflag:$0x0] =	sbarrier.arrive $0xFFFF  }
0x84: {  	[sflag:s3] =	ssyncpa.u1 $0x1  }
0x85: {  	[sflag:s2] =	ssyncpa.u1 $0x1  }
0x86: {  	_ =	sfence.stream.spmem  }
0x87: {  	s31 =	simm.s32 $0x3D;
	[bflag:$0x0] =	sbarrier.arrive $0xFFFF  }
0x88: {  	s2 =	simm.s32 @p0 $0x3D;
	[sflag:s31] =	ssyncpa.u1 $0x0  }
0x89: {  	[sflag:s2] =	ssyncpa.u1 @p0 $0x1  }
0x8a: {  	[bflag:$0x0] =	sbarrier.arrive @p0 $0xFFFF  }
0x8b: {  	_ =	strace @p0 $0x9000004A  }
0x8c: {  	s3 =	simm.s32 @!p0 $0x1C3D;
	s2 =	simm.s32 @!p0 $0x0;
	[bflag:$0x2] =	sbarrier.arrive @p0 $0xFFFF  }
0x8d: {  	[hbm:s1], [sflag:s3] =	dma.local @!p0 [spmem:s2], $0x9E00  }
0x8e: {  	s1 =	simm.s32 @!p0 $0x3D  }
0x8f: {  	_ =	swait.ge @!p0 [sflag:s1], $0x9E00  }
0x90: {  	[sflag:s1] =	ssyncset.done @!p0 $0x0  }
0x91: {  	[sflag:s1] =	ssyncadd.s32 @!p0 $0xFFFF6200  }
0x92: {  	[sflag:s1] =	ssyncpa.u1 @!p0 $0x1  }
0x93: {  	[bflag:$0x0] =	sbarrier.arrive @!p0 $0xFFFF  }
0x94: {  	_ =	strace @!p0 $0x9000004A  }
0x95: {  	s0 =	sadd.s32 @!p0 $0x100000, s0;
	[bflag:$0x2] =	sbarrier.arrive @!p0 $0xFFFF  }
0x96: {  	[sflag:s0] =	ssyncadd.tile.s32 @!p0 $0x1;
	_ =	shalt  }
.Lfunc_end3:
_tile_overlayer_lowered:
.L_overlay_start_3:
0x97: {  	(tag) =	ssettag $0x3  }
0x98: {  	s0 =	rddreg [dreg:$0x0];
	s2 =	stileid.u32  }
0x99: {  	s1 =	rddreg [dreg:$0x1];
	p0 =	sne.s32 s2, $0x0  }
0x9a: {  	s3 =	rddreg [dreg:$0x2];
	[bflag:$0x3] =	sbarrier.arrive $0xFFFF;
	s2 =	simm.s32 @!p0 $0x1C01  }
0x9b: {  	[timem:s3], [sflag:s2] =	dma.local @!p0 [hbm:s0], s1  }
0x9c: {  	s0 =	simm.s32 @!p0 $0x1  }
0x9d: {  	_ =	swait.ge @!p0 [sflag:s0], s1  }
0x9e: {  	s1 =	ssub.s32 @!p0 $0x0, s1;
	[sflag:s0] =	ssyncset.done @!p0 $0x0  }
0x9f: {  	[sflag:s0] =	ssyncadd.s32 @!p0 s1  }
0xa0: {  	[bflag:$0x3] =	sbarrier.arrive $0xFFFF  }
0xa1: {  	_ =	shalt  }

</sc_bundles>
